<compile_context>
chip_gen: v7x
topology: tpu7x:2x2x1
jax: 0.10.2.dev20260603
libtpu: 0.0.44.dev20260713+nightly
codegen_flags: <defaults>
</compile_context>

<pallas_src>
import functools

import jax
import jax.numpy as jnp
from jax import lax
from jax.experimental import pallas as pl
from jax.experimental.pallas import tpu as pltpu
from jax.experimental.pallas import tpu_sc as plsc

E = 16
K = 2
D = 2048
TOKENS = 16384
NW = 32
CHUNK = TOKENS // NW
LANES = 16
TBLK = 1024
CPB = TBLK // CHUNK


def _router_tc_body(x_ref, w_ref, b_ref, logits_ref, probs_ref, pt_ref):
    x = x_ref[...]
    w = w_ref[...]
    logits = lax.dot_general(x, w, (((1,), (1,)), ((), ())),
                             preferred_element_type=jnp.float32)
    logits = logits + b_ref[...]
    logits_ref[...] = logits
    m = jnp.max(logits, axis=-1, keepdims=True)
    ex = jnp.exp(logits - m)
    p = ex / jnp.sum(ex, axis=-1, keepdims=True)
    probs_ref[...] = p
    for j in range(CPB):
        pt_ref[pl.ds(j * E * CHUNK, E * CHUNK)] = (
            p[j * CHUNK:(j + 1) * CHUNK].T.reshape(E * CHUNK))


def _router_tc(x, w, b2d):
    nblk = TOKENS // TBLK
    return pl.pallas_call(
        _router_tc_body,
        grid=(nblk,),
        in_specs=[
            pl.BlockSpec((TBLK, D), lambda i: (i, 0)),
            pl.BlockSpec((E, D), lambda i: (0, 0)),
            pl.BlockSpec((1, E), lambda i: (0, 0)),
        ],
        out_specs=[
            pl.BlockSpec((TBLK, E), lambda i: (i, 0)),
            pl.BlockSpec((TBLK, E), lambda i: (i, 0)),
            pl.BlockSpec((CPB * E * CHUNK,), lambda i: (i,)),
        ],
        out_shape=[
            jax.ShapeDtypeStruct((TOKENS, E), jnp.float32),
            jax.ShapeDtypeStruct((TOKENS, E), jnp.float32),
            jax.ShapeDtypeStruct((NW * E * CHUNK,), jnp.float32),
        ],
        compiler_params=pltpu.CompilerParams(
            dimension_semantics=("parallel",)),
    )(x, w, b2d)


def _topk_sc_body(pt_hbm, o_hbm, pbuf, obuf):
    wid = lax.axis_index("s") * 2 + lax.axis_index("c")
    pltpu.sync_copy(pt_hbm.at[pl.ds(wid * (E * CHUNK), E * CHUNK)], pbuf)

    def group(g, _):
        base = g * LANES
        m1 = jnp.full((LANES,), -1.0, jnp.float32)
        m2 = jnp.full((LANES,), -1.0, jnp.float32)
        i1 = jnp.zeros((LANES,), jnp.int32)
        i2 = jnp.zeros((LANES,), jnp.int32)
        for e in range(E):
            p = pbuf[pl.ds(e * CHUNK + base, LANES)]
            gt1 = p > m1
            gt2 = p > m2
            i2 = jnp.where(gt1, i1, jnp.where(gt2, e, i2))
            m2 = jnp.where(gt1, m1, jnp.where(gt2, p, m2))
            i1 = jnp.where(gt1, e, i1)
            m1 = jnp.where(gt1, p, m1)
        rs = 1.0 / (m1 + m2)
        obuf[pl.ds(base, LANES)] = lax.bitcast_convert_type(m1 * rs, jnp.int32)
        obuf[pl.ds(CHUNK + base, LANES)] = lax.bitcast_convert_type(m2 * rs, jnp.int32)
        obuf[pl.ds(2 * CHUNK + base, LANES)] = i1
        obuf[pl.ds(3 * CHUNK + base, LANES)] = i2
        return 0

    lax.fori_loop(0, CHUNK // LANES, group, 0)
    for q in range(2 * K):
        pltpu.sync_copy(obuf.at[pl.ds(q * CHUNK, CHUNK)],
                        o_hbm.at[pl.ds(q * TOKENS + wid * CHUNK, CHUNK)])


@functools.cache
def _topk_sc():
    return pl.kernel(
        _topk_sc_body,
        mesh=plsc.VectorSubcoreMesh(core_axis_name="c", subcore_axis_name="s"),
        out_type=jax.ShapeDtypeStruct((2 * K * TOKENS,), jnp.int32),
        scratch_types=[
            pltpu.VMEM((E * CHUNK,), jnp.float32),
            pltpu.VMEM((2 * K * CHUNK,), jnp.int32),
        ],
    )


def kernel(inputs, W, b):
    B, S, _ = inputs.shape
    x = inputs.reshape(TOKENS, D)
    logits, probs, pt = _router_tc(x, W, b.reshape(1, E))
    out = _topk_sc()(pt)
    router_logits = logits.reshape(B, S, E)
    router_probs = probs.reshape(B, S, E)
    oi = jnp.moveaxis(out.reshape(2 * K, B, S), 0, -1)
    top_k_weights = lax.bitcast_convert_type(oi[..., :K], jnp.float32)
    top_k_indices = oi[..., K:]
    return (router_logits, router_probs, top_k_weights, top_k_indices)

# --- scband reference (transcript-rebuilt; emitter-appended) ---
"""Pipeline reference for scband-attentive-router-16226386444685 (READ-ONLY COPY).

The authoritative reference and input builder live on the scoring server;
editing this copy changes nothing except your own understanding.
"""

import jax, jax.numpy as jnp
import numpy as np

NUM_EXPERTS = 16
TOP_K = 2
D_MODEL = 2048


def setup_inputs(seed: int = 0) -> dict:
    key = jax.random.key(seed)
    k1, k2 = jax.random.split(key, 2)
    inputs = jax.random.normal(k1, (4, 4096, D_MODEL), dtype=jnp.float32)
    # router Linear(input_dim -> num_experts); orthogonal init with gain 0.1
    # approximated by scaled gaussian (orthogonality does not change the math pattern)
    W = jax.random.normal(k2, (NUM_EXPERTS, D_MODEL), dtype=jnp.float32) * (0.1 / np.sqrt(D_MODEL))
    b = jnp.zeros((NUM_EXPERTS,), dtype=jnp.float32)
    return {"inputs": inputs, "W": W, "b": b}


def reference(inputs, W, b):
    # router logits: [B, S, E]
    router_logits = jnp.einsum('bsd,ed->bse', inputs, W) + b
    # eval mode: no noisy routing, dropout is a no-op (never applied in forward anyway)
    router_probs = jax.nn.softmax(router_logits, axis=-1)
    top_k_probs, top_k_indices = jax.lax.top_k(router_probs, TOP_K)
    # use_softmax=True branch: renormalize top-k probs
    top_k_weights = top_k_probs / jnp.sum(top_k_probs, axis=-1, keepdims=True)
    return (router_logits, router_probs, top_k_weights, top_k_indices)

if __name__ == "__main__":
    import jax
    _d = setup_inputs()
    print(jax.jit(kernel)(*tuple(_d.values())))

</pallas_src>

<mosaic_0001>
#map = affine_map<(d0, d1) -> (0)>
module attributes {stable_mosaic.version = 14 : i64} {
  func.func @_topk_sc_body(%arg0: i32, %arg1: i32, %arg2: memref<262144xf32, #tpu.memory_space<hbm>>, %arg3: memref<65536xi32, #tpu.memory_space<hbm>>, %arg4: memref<8192xf32, #tpu.memory_space<vmem>>, %arg5: memref<2048xi32, #tpu.memory_space<vmem>>) attributes {dimension_semantics = [#tpu.dimension_semantics<core_parallel>, #tpu.dimension_semantics<subcore_parallel>], iteration_bounds = array<i64: 2, 16>, scalar_prefetch = 0 : i64, scratch_operands = 2 : i64, tpu.core_type = #tpu.core_type<sc_vector_subcore>, window_params = [{transform_indices = #map}, {transform_indices = #map}]} {
    %mul3A = arith.constant 2 : i32
    %mul3A_0 = arith.muli %arg1, %mul3A : i32
    %add3A = arith.addi %mul3A_0, %arg0 : i32
    %mul3A_1 = arith.constant 8192 : i32
    %mul3A_2 = arith.muli %add3A, %mul3A_1 : i32
    "tpu.region"() ({
      %run_scoped3A = tpu.sem_alloc : memref<!tpu.dma_semaphore, #tpu.memory_space<semaphore_mem>>
      %dma_start3A = tpu.memref_slice %arg2[%mul3A_2] : memref<262144xf32, #tpu.memory_space<hbm>> -> memref<8192xf32, #tpu.memory_space<hbm>>
      %dma_start3A_25 = tpu.memref_slice %arg2[%mul3A_2] : memref<262144xf32, #tpu.memory_space<hbm>> -> memref<8192xf32, #tpu.memory_space<hbm>>
      tpu.enqueue_dma source(%dma_start3A_25 : memref<8192xf32, #tpu.memory_space<hbm>>) target(%arg4 : memref<8192xf32, #tpu.memory_space<vmem>>) target_semaphore(%run_scoped3A : memref<!tpu.dma_semaphore, #tpu.memory_space<semaphore_mem>>)
      %dma_wait3A = tpu.memref_slice %arg2[%mul3A_2] : memref<262144xf32, #tpu.memory_space<hbm>> -> memref<8192xf32, #tpu.memory_space<hbm>>
      %dma_wait3A_26 = tpu.memref_slice %arg2[%mul3A_2] : memref<262144xf32, #tpu.memory_space<hbm>> -> memref<8192xf32, #tpu.memory_space<hbm>>
      tpu.wait_dma2 semaphore(%run_scoped3A : memref<!tpu.dma_semaphore, #tpu.memory_space<semaphore_mem>>) src(%dma_wait3A_26 : memref<8192xf32, #tpu.memory_space<hbm>>) dst(%arg4 : memref<8192xf32, #tpu.memory_space<vmem>>)
      tpu.yield
    }) : () -> ()
    %scan3A = arith.constant 0 : i32
    %scan3A_3 = arith.constant 0 : i32
    %scan3A_4 = arith.constant 32 : i32
    %scan3A_5 = arith.addi %scan3A_3, %scan3A_4 : i32
    %scan3A_6 = arith.constant 1 : i32
    %scan3A_7 = scf.for %scan3A_25 = %scan3A_3 to %scan3A_5 step %scan3A_6 iter_args(%scan3A_26 = %scan3A) -> (i32)  : i32 {
      %mul3A_27 = arith.constant 16 : i32
      %mul3A_28 = arith.muli %scan3A_25, %mul3A_27 : i32
      %broadcast_in_dim3A = arith.constant -1.000000e+00 : f32
      %broadcast_in_dim3A_29 = vector.broadcast %broadcast_in_dim3A : f32 to vector<16xf32>
      %broadcast_in_dim3A_30 = arith.constant -1.000000e+00 : f32
      %broadcast_in_dim3A_31 = vector.broadcast %broadcast_in_dim3A_30 : f32 to vector<16xf32>
      %broadcast_in_dim3A_32 = arith.constant 0 : i32
      %broadcast_in_dim3A_33 = vector.broadcast %broadcast_in_dim3A_32 : i32 to vector<16xi32>
      %broadcast_in_dim3A_34 = arith.constant 0 : i32
      %broadcast_in_dim3A_35 = vector.broadcast %broadcast_in_dim3A_34 : i32 to vector<16xi32>
      %add3A_36 = arith.constant 0 : i32
      %add3A_37 = arith.addi %add3A_36, %mul3A_28 : i32
      %get3A = arith.index_cast %add3A_37 : i32 to index
      %get3A_38 = tpu.vector_load %arg4[%get3A] {strides = array<i32>} : memref<8192xf32, #tpu.memory_space<vmem>>, vector<16xf32>,
      %get3A_39 = vector.shape_cast %get3A_38 : vector<16xf32> to vector<16xf32>
      %gt3A = arith.cmpf ogt, %get3A_39, %broadcast_in_dim3A_29 : vector<16xf32>
      %gt3A_40 = arith.cmpf ogt, %get3A_39, %broadcast_in_dim3A_31 : vector<16xf32>
      %jit3A = arith.constant 0 : i32
      %broadcast_in_dim3A_41 = vector.broadcast %jit3A : i32 to vector<16xi32>
      %select_n3A = arith.select %gt3A_40, %broadcast_in_dim3A_41, %broadcast_in_dim3A_35 : vector<16xi1>, vector<16xi32>
      %select_n3A_42 = arith.select %gt3A, %broadcast_in_dim3A_33, %select_n3A : vector<16xi1>, vector<16xi32>
      %select_n3A_43 = arith.select %gt3A_40, %get3A_39, %broadcast_in_dim3A_31 : vector<16xi1>, vector<16xf32>
      %select_n3A_44 = arith.select %gt3A, %broadcast_in_dim3A_29, %select_n3A_43 : vector<16xi1>, vector<16xf32>
      %jit3A_45 = arith.constant 0 : i32
      %broadcast_in_dim3A_46 = vector.broadcast %jit3A_45 : i32 to vector<16xi32>
      %select_n3A_47 = arith.select %gt3A, %broadcast_in_dim3A_46, %broadcast_in_dim3A_33 : vector<16xi1>, vector<16xi32>
      %select_n3A_48 = arith.select %gt3A, %get3A_39, %broadcast_in_dim3A_29 : vector<16xi1>, vector<16xf32>
      %add3A_49 = arith.constant 512 : i32
      %add3A_50 = arith.addi %add3A_49, %mul3A_28 : i32
      %get3A_51 = arith.index_cast %add3A_50 : i32 to index
      %get3A_52 = tpu.vector_load %arg4[%get3A_51] {strides = array<i32>} : memref<8192xf32, #tpu.memory_space<vmem>>, vector<16xf32>,
      %get3A_53 = vector.shape_cast %get3A_52 : vector<16xf32> to vector<16xf32>
      %gt3A_54 = arith.cmpf ogt, %get3A_53, %select_n3A_48 : vector<16xf32>
      %gt3A_55 = arith.cmpf ogt, %get3A_53, %select_n3A_44 : vector<16xf32>
      %jit3A_56 = arith.constant 1 : i32
      %broadcast_in_dim3A_57 = vector.broadcast %jit3A_56 : i32 to vector<16xi32>
      %select_n3A_58 = arith.select %gt3A_55, %broadcast_in_dim3A_57, %select_n3A_42 : vector<16xi1>, vector<16xi32>
      %select_n3A_59 = arith.select %gt3A_54, %select_n3A_47, %select_n3A_58 : vector<16xi1>, vector<16xi32>
      %select_n3A_60 = arith.select %gt3A_55, %get3A_53, %select_n3A_44 : vector<16xi1>, vector<16xf32>
      %select_n3A_61 = arith.select %gt3A_54, %select_n3A_48, %select_n3A_60 : vector<16xi1>, vector<16xf32>
      %jit3A_62 = arith.constant 1 : i32
      %broadcast_in_dim3A_63 = vector.broadcast %jit3A_62 : i32 to vector<16xi32>
      %select_n3A_64 = arith.select %gt3A_54, %broadcast_in_dim3A_63, %select_n3A_47 : vector<16xi1>, vector<16xi32>
      %select_n3A_65 = arith.select %gt3A_54, %get3A_53, %select_n3A_48 : vector<16xi1>, vector<16xf32>
      %add3A_66 = arith.constant 1024 : i32
      %add3A_67 = arith.addi %add3A_66, %mul3A_28 : i32
      %get3A_68 = arith.index_cast %add3A_67 : i32 to index
      %get3A_69 = tpu.vector_load %arg4[%get3A_68] {strides = array<i32>} : memref<8192xf32, #tpu.memory_space<vmem>>, vector<16xf32>,
      %get3A_70 = vector.shape_cast %get3A_69 : vector<16xf32> to vector<16xf32>
      %gt3A_71 = arith.cmpf ogt, %get3A_70, %select_n3A_65 : vector<16xf32>
      %gt3A_72 = arith.cmpf ogt, %get3A_70, %select_n3A_61 : vector<16xf32>
      %jit3A_73 = arith.constant 2 : i32
      %broadcast_in_dim3A_74 = vector.broadcast %jit3A_73 : i32 to vector<16xi32>
      %select_n3A_75 = arith.select %gt3A_72, %broadcast_in_dim3A_74, %select_n3A_59 : vector<16xi1>, vector<16xi32>
      %select_n3A_76 = arith.select %gt3A_71, %select_n3A_64, %select_n3A_75 : vector<16xi1>, vector<16xi32>
      %select_n3A_77 = arith.select %gt3A_72, %get3A_70, %select_n3A_61 : vector<16xi1>, vector<16xf32>
      %select_n3A_78 = arith.select %gt3A_71, %select_n3A_65, %select_n3A_77 : vector<16xi1>, vector<16xf32>
      %jit3A_79 = arith.constant 2 : i32
      %broadcast_in_dim3A_80 = vector.broadcast %jit3A_79 : i32 to vector<16xi32>
      %select_n3A_81 = arith.select %gt3A_71, %broadcast_in_dim3A_80, %select_n3A_64 : vector<16xi1>, vector<16xi32>
      %select_n3A_82 = arith.select %gt3A_71, %get3A_70, %select_n3A_65 : vector<16xi1>, vector<16xf32>
      %add3A_83 = arith.constant 1536 : i32
      %add3A_84 = arith.addi %add3A_83, %mul3A_28 : i32
      %get3A_85 = arith.index_cast %add3A_84 : i32 to index
      %get3A_86 = tpu.vector_load %arg4[%get3A_85] {strides = array<i32>} : memref<8192xf32, #tpu.memory_space<vmem>>, vector<16xf32>,
      %get3A_87 = vector.shape_cast %get3A_86 : vector<16xf32> to vector<16xf32>
      %gt3A_88 = arith.cmpf ogt, %get3A_87, %select_n3A_82 : vector<16xf32>
      %gt3A_89 = arith.cmpf ogt, %get3A_87, %select_n3A_78 : vector<16xf32>
      %jit3A_90 = arith.constant 3 : i32
      %broadcast_in_dim3A_91 = vector.broadcast %jit3A_90 : i32 to vector<16xi32>
      %select_n3A_92 = arith.select %gt3A_89, %broadcast_in_dim3A_91, %select_n3A_76 : vector<16xi1>, vector<16xi32>
      %select_n3A_93 = arith.select %gt3A_88, %select_n3A_81, %select_n3A_92 : vector<16xi1>, vector<16xi32>
      %select_n3A_94 = arith.select %gt3A_89, %get3A_87, %select_n3A_78 : vector<16xi1>, vector<16xf32>
      %select_n3A_95 = arith.select %gt3A_88, %select_n3A_82, %select_n3A_94 : vector<16xi1>, vector<16xf32>
      %jit3A_96 = arith.constant 3 : i32
      %broadcast_in_dim3A_97 = vector.broadcast %jit3A_96 : i32 to vector<16xi32>
      %select_n3A_98 = arith.select %gt3A_88, %broadcast_in_dim3A_97, %select_n3A_81 : vector<16xi1>, vector<16xi32>
      %select_n3A_99 = arith.select %gt3A_88, %get3A_87, %select_n3A_82 : vector<16xi1>, vector<16xf32>
      %add3A_100 = arith.constant 2048 : i32
      %add3A_101 = arith.addi %add3A_100, %mul3A_28 : i32
      %get3A_102 = arith.index_cast %add3A_101 : i32 to index
      %get3A_103 = tpu.vector_load %arg4[%get3A_102] {strides = array<i32>} : memref<8192xf32, #tpu.memory_space<vmem>>, vector<16xf32>,
      %get3A_104 = vector.shape_cast %get3A_103 : vector<16xf32> to vector<16xf32>
      %gt3A_105 = arith.cmpf ogt, %get3A_104, %select_n3A_99 : vector<16xf32>
      %gt3A_106 = arith.cmpf ogt, %get3A_104, %select_n3A_95 : vector<16xf32>
      %jit3A_107 = arith.constant 4 : i32
      %broadcast_in_dim3A_108 = vector.broadcast %jit3A_107 : i32 to vector<16xi32>
      %select_n3A_109 = arith.select %gt3A_106, %broadcast_in_dim3A_108, %select_n3A_93 : vector<16xi1>, vector<16xi32>
      %select_n3A_110 = arith.select %gt3A_105, %select_n3A_98, %select_n3A_109 : vector<16xi1>, vector<16xi32>
      %select_n3A_111 = arith.select %gt3A_106, %get3A_104, %select_n3A_95 : vector<16xi1>, vector<16xf32>
      %select_n3A_112 = arith.select %gt3A_105, %select_n3A_99, %select_n3A_111 : vector<16xi1>, vector<16xf32>
      %jit3A_113 = arith.constant 4 : i32
      %broadcast_in_dim3A_114 = vector.broadcast %jit3A_113 : i32 to vector<16xi32>
      %select_n3A_115 = arith.select %gt3A_105, %broadcast_in_dim3A_114, %select_n3A_98 : vector<16xi1>, vector<16xi32>
      %select_n3A_116 = arith.select %gt3A_105, %get3A_104, %select_n3A_99 : vector<16xi1>, vector<16xf32>
      %add3A_117 = arith.constant 2560 : i32
      %add3A_118 = arith.addi %add3A_117, %mul3A_28 : i32
      %get3A_119 = arith.index_cast %add3A_118 : i32 to index
      %get3A_120 = tpu.vector_load %arg4[%get3A_119] {strides = array<i32>} : memref<8192xf32, #tpu.memory_space<vmem>>, vector<16xf32>,
      %get3A_121 = vector.shape_cast %get3A_120 : vector<16xf32> to vector<16xf32>
      %gt3A_122 = arith.cmpf ogt, %get3A_121, %select_n3A_116 : vector<16xf32>
      %gt3A_123 = arith.cmpf ogt, %get3A_121, %select_n3A_112 : vector<16xf32>
      %jit3A_124 = arith.constant 5 : i32
      %broadcast_in_dim3A_125 = vector.broadcast %jit3A_124 : i32 to vector<16xi32>
      %select_n3A_126 = arith.select %gt3A_123, %broadcast_in_dim3A_125, %select_n3A_110 : vector<16xi1>, vector<16xi32>
      %select_n3A_127 = arith.select %gt3A_122, %select_n3A_115, %select_n3A_126 : vector<16xi1>, vector<16xi32>
      %select_n3A_128 = arith.select %gt3A_123, %get3A_121, %select_n3A_112 : vector<16xi1>, vector<16xf32>
      %select_n3A_129 = arith.select %gt3A_122, %select_n3A_116, %select_n3A_128 : vector<16xi1>, vector<16xf32>
      %jit3A_130 = arith.constant 5 : i32
      %broadcast_in_dim3A_131 = vector.broadcast %jit3A_130 : i32 to vector<16xi32>
      %select_n3A_132 = arith.select %gt3A_122, %broadcast_in_dim3A_131, %select_n3A_115 : vector<16xi1>, vector<16xi32>
      %select_n3A_133 = arith.select %gt3A_122, %get3A_121, %select_n3A_116 : vector<16xi1>, vector<16xf32>
      %add3A_134 = arith.constant 3072 : i32
      %add3A_135 = arith.addi %add3A_134, %mul3A_28 : i32
      %get3A_136 = arith.index_cast %add3A_135 : i32 to index
      %get3A_137 = tpu.vector_load %arg4[%get3A_136] {strides = array<i32>} : memref<8192xf32, #tpu.memory_space<vmem>>, vector<16xf32>,
      %get3A_138 = vector.shape_cast %get3A_137 : vector<16xf32> to vector<16xf32>
      %gt3A_139 = arith.cmpf ogt, %get3A_138, %select_n3A_133 : vector<16xf32>
      %gt3A_140 = arith.cmpf ogt, %get3A_138, %select_n3A_129 : vector<16xf32>
      %jit3A_141 = arith.constant 6 : i32
      %broadcast_in_dim3A_142 = vector.broadcast %jit3A_141 : i32 to vector<16xi32>
      %select_n3A_143 = arith.select %gt3A_140, %broadcast_in_dim3A_142, %select_n3A_127 : vector<16xi1>, vector<16xi32>
      %select_n3A_144 = arith.select %gt3A_139, %select_n3A_132, %select_n3A_143 : vector<16xi1>, vector<16xi32>
      %select_n3A_145 = arith.select %gt3A_140, %get3A_138, %select_n3A_129 : vector<16xi1>, vector<16xf32>
      %select_n3A_146 = arith.select %gt3A_139, %select_n3A_133, %select_n3A_145 : vector<16xi1>, vector<16xf32>
      %jit3A_147 = arith.constant 6 : i32
      %broadcast_in_dim3A_148 = vector.broadcast %jit3A_147 : i32 to vector<16xi32>
      %select_n3A_149 = arith.select %gt3A_139, %broadcast_in_dim3A_148, %select_n3A_132 : vector<16xi1>, vector<16xi32>
      %select_n3A_150 = arith.select %gt3A_139, %get3A_138, %select_n3A_133 : vector<16xi1>, vector<16xf32>
      %add3A_151 = arith.constant 3584 : i32
      %add3A_152 = arith.addi %add3A_151, %mul3A_28 : i32
      %get3A_153 = arith.index_cast %add3A_152 : i32 to index
      %get3A_154 = tpu.vector_load %arg4[%get3A_153] {strides = array<i32>} : memref<8192xf32, #tpu.memory_space<vmem>>, vector<16xf32>,
      %get3A_155 = vector.shape_cast %get3A_154 : vector<16xf32> to vector<16xf32>
      %gt3A_156 = arith.cmpf ogt, %get3A_155, %select_n3A_150 : vector<16xf32>
      %gt3A_157 = arith.cmpf ogt, %get3A_155, %select_n3A_146 : vector<16xf32>
      %jit3A_158 = arith.constant 7 : i32
      %broadcast_in_dim3A_159 = vector.broadcast %jit3A_158 : i32 to vector<16xi32>
      %select_n3A_160 = arith.select %gt3A_157, %broadcast_in_dim3A_159, %select_n3A_144 : vector<16xi1>, vector<16xi32>
      %select_n3A_161 = arith.select %gt3A_156, %select_n3A_149, %select_n3A_160 : vector<16xi1>, vector<16xi32>
      %select_n3A_162 = arith.select %gt3A_157, %get3A_155, %select_n3A_146 : vector<16xi1>, vector<16xf32>
      %select_n3A_163 = arith.select %gt3A_156, %select_n3A_150, %select_n3A_162 : vector<16xi1>, vector<16xf32>
      %jit3A_164 = arith.constant 7 : i32
      %broadcast_in_dim3A_165 = vector.broadcast %jit3A_164 : i32 to vector<16xi32>
      %select_n3A_166 = arith.select %gt3A_156, %broadcast_in_dim3A_165, %select_n3A_149 : vector<16xi1>, vector<16xi32>
      %select_n3A_167 = arith.select %gt3A_156, %get3A_155, %select_n3A_150 : vector<16xi1>, vector<16xf32>
      %add3A_168 = arith.constant 4096 : i32
      %add3A_169 = arith.addi %add3A_168, %mul3A_28 : i32
      %get3A_170 = arith.index_cast %add3A_169 : i32 to index
      %get3A_171 = tpu.vector_load %arg4[%get3A_170] {strides = array<i32>} : memref<8192xf32, #tpu.memory_space<vmem>>, vector<16xf32>,
      %get3A_172 = vector.shape_cast %get3A_171 : vector<16xf32> to vector<16xf32>
      %gt3A_173 = arith.cmpf ogt, %get3A_172, %select_n3A_167 : vector<16xf32>
      %gt3A_174 = arith.cmpf ogt, %get3A_172, %select_n3A_163 : vector<16xf32>
      %jit3A_175 = arith.constant 8 : i32
      %broadcast_in_dim3A_176 = vector.broadcast %jit3A_175 : i32 to vector<16xi32>
      %select_n3A_177 = arith.select %gt3A_174, %broadcast_in_dim3A_176, %select_n3A_161 : vector<16xi1>, vector<16xi32>
      %select_n3A_178 = arith.select %gt3A_173, %select_n3A_166, %select_n3A_177 : vector<16xi1>, vector<16xi32>
      %select_n3A_179 = arith.select %gt3A_174, %get3A_172, %select_n3A_163 : vector<16xi1>, vector<16xf32>
      %select_n3A_180 = arith.select %gt3A_173, %select_n3A_167, %select_n3A_179 : vector<16xi1>, vector<16xf32>
      %jit3A_181 = arith.constant 8 : i32
      %broadcast_in_dim3A_182 = vector.broadcast %jit3A_181 : i32 to vector<16xi32>
      %select_n3A_183 = arith.select %gt3A_173, %broadcast_in_dim3A_182, %select_n3A_166 : vector<16xi1>, vector<16xi32>
      %select_n3A_184 = arith.select %gt3A_173, %get3A_172, %select_n3A_167 : vector<16xi1>, vector<16xf32>
      %add3A_185 = arith.constant 4608 : i32
      %add3A_186 = arith.addi %add3A_185, %mul3A_28 : i32
      %get3A_187 = arith.index_cast %add3A_186 : i32 to index
      %get3A_188 = tpu.vector_load %arg4[%get3A_187] {strides = array<i32>} : memref<8192xf32, #tpu.memory_space<vmem>>, vector<16xf32>,
      %get3A_189 = vector.shape_cast %get3A_188 : vector<16xf32> to vector<16xf32>
      %gt3A_190 = arith.cmpf ogt, %get3A_189, %select_n3A_184 : vector<16xf32>
      %gt3A_191 = arith.cmpf ogt, %get3A_189, %select_n3A_180 : vector<16xf32>
      %jit3A_192 = arith.constant 9 : i32
      %broadcast_in_dim3A_193 = vector.broadcast %jit3A_192 : i32 to vector<16xi32>
      %select_n3A_194 = arith.select %gt3A_191, %broadcast_in_dim3A_193, %select_n3A_178 : vector<16xi1>, vector<16xi32>
      %select_n3A_195 = arith.select %gt3A_190, %select_n3A_183, %select_n3A_194 : vector<16xi1>, vector<16xi32>
      %select_n3A_196 = arith.select %gt3A_191, %get3A_189, %select_n3A_180 : vector<16xi1>, vector<16xf32>
      %select_n3A_197 = arith.select %gt3A_190, %select_n3A_184, %select_n3A_196 : vector<16xi1>, vector<16xf32>
      %jit3A_198 = arith.constant 9 : i32
      %broadcast_in_dim3A_199 = vector.broadcast %jit3A_198 : i32 to vector<16xi32>
      %select_n3A_200 = arith.select %gt3A_190, %broadcast_in_dim3A_199, %select_n3A_183 : vector<16xi1>, vector<16xi32>
      %select_n3A_201 = arith.select %gt3A_190, %get3A_189, %select_n3A_184 : vector<16xi1>, vector<16xf32>
      %add3A_202 = arith.constant 5120 : i32
      %add3A_203 = arith.addi %add3A_202, %mul3A_28 : i32
      %get3A_204 = arith.index_cast %add3A_203 : i32 to index
      %get3A_205 = tpu.vector_load %arg4[%get3A_204] {strides = array<i32>} : memref<8192xf32, #tpu.memory_space<vmem>>, vector<16xf32>,
      %get3A_206 = vector.shape_cast %get3A_205 : vector<16xf32> to vector<16xf32>
      %gt3A_207 = arith.cmpf ogt, %get3A_206, %select_n3A_201 : vector<16xf32>
      %gt3A_208 = arith.cmpf ogt, %get3A_206, %select_n3A_197 : vector<16xf32>
      %jit3A_209 = arith.constant 10 : i32
      %broadcast_in_dim3A_210 = vector.broadcast %jit3A_209 : i32 to vector<16xi32>
      %select_n3A_211 = arith.select %gt3A_208, %broadcast_in_dim3A_210, %select_n3A_195 : vector<16xi1>, vector<16xi32>
      %select_n3A_212 = arith.select %gt3A_207, %select_n3A_200, %select_n3A_211 : vector<16xi1>, vector<16xi32>
      %select_n3A_213 = arith.select %gt3A_208, %get3A_206, %select_n3A_197 : vector<16xi1>, vector<16xf32>
      %select_n3A_214 = arith.select %gt3A_207, %select_n3A_201, %select_n3A_213 : vector<16xi1>, vector<16xf32>
      %jit3A_215 = arith.constant 10 : i32
      %broadcast_in_dim3A_216 = vector.broadcast %jit3A_215 : i32 to vector<16xi32>
      %select_n3A_217 = arith.select %gt3A_207, %broadcast_in_dim3A_216, %select_n3A_200 : vector<16xi1>, vector<16xi32>
      %select_n3A_218 = arith.select %gt3A_207, %get3A_206, %select_n3A_201 : vector<16xi1>, vector<16xf32>
      %add3A_219 = arith.constant 5632 : i32
      %add3A_220 = arith.addi %add3A_219, %mul3A_28 : i32
      %get3A_221 = arith.index_cast %add3A_220 : i32 to index
      %get3A_222 = tpu.vector_load %arg4[%get3A_221] {strides = array<i32>} : memref<8192xf32, #tpu.memory_space<vmem>>, vector<16xf32>,
      %get3A_223 = vector.shape_cast %get3A_222 : vector<16xf32> to vector<16xf32>
      %gt3A_224 = arith.cmpf ogt, %get3A_223, %select_n3A_218 : vector<16xf32>
      %gt3A_225 = arith.cmpf ogt, %get3A_223, %select_n3A_214 : vector<16xf32>
      %jit3A_226 = arith.constant 11 : i32
      %broadcast_in_dim3A_227 = vector.broadcast %jit3A_226 : i32 to vector<16xi32>
      %select_n3A_228 = arith.select %gt3A_225, %broadcast_in_dim3A_227, %select_n3A_212 : vector<16xi1>, vector<16xi32>
      %select_n3A_229 = arith.select %gt3A_224, %select_n3A_217, %select_n3A_228 : vector<16xi1>, vector<16xi32>
      %select_n3A_230 = arith.select %gt3A_225, %get3A_223, %select_n3A_214 : vector<16xi1>, vector<16xf32>
      %select_n3A_231 = arith.select %gt3A_224, %select_n3A_218, %select_n3A_230 : vector<16xi1>, vector<16xf32>
      %jit3A_232 = arith.constant 11 : i32
      %broadcast_in_dim3A_233 = vector.broadcast %jit3A_232 : i32 to vector<16xi32>
      %select_n3A_234 = arith.select %gt3A_224, %broadcast_in_dim3A_233, %select_n3A_217 : vector<16xi1>, vector<16xi32>
      %select_n3A_235 = arith.select %gt3A_224, %get3A_223, %select_n3A_218 : vector<16xi1>, vector<16xf32>
      %add3A_236 = arith.constant 6144 : i32
      %add3A_237 = arith.addi %add3A_236, %mul3A_28 : i32
      %get3A_238 = arith.index_cast %add3A_237 : i32 to index
      %get3A_239 = tpu.vector_load %arg4[%get3A_238] {strides = array<i32>} : memref<8192xf32, #tpu.memory_space<vmem>>, vector<16xf32>,
      %get3A_240 = vector.shape_cast %get3A_239 : vector<16xf32> to vector<16xf32>
      %gt3A_241 = arith.cmpf ogt, %get3A_240, %select_n3A_235 : vector<16xf32>
      %gt3A_242 = arith.cmpf ogt, %get3A_240, %select_n3A_231 : vector<16xf32>
      %jit3A_243 = arith.constant 12 : i32
      %broadcast_in_dim3A_244 = vector.broadcast %jit3A_243 : i32 to vector<16xi32>
      %select_n3A_245 = arith.select %gt3A_242, %broadcast_in_dim3A_244, %select_n3A_229 : vector<16xi1>, vector<16xi32>
      %select_n3A_246 = arith.select %gt3A_241, %select_n3A_234, %select_n3A_245 : vector<16xi1>, vector<16xi32>
      %select_n3A_247 = arith.select %gt3A_242, %get3A_240, %select_n3A_231 : vector<16xi1>, vector<16xf32>
      %select_n3A_248 = arith.select %gt3A_241, %select_n3A_235, %select_n3A_247 : vector<16xi1>, vector<16xf32>
      %jit3A_249 = arith.constant 12 : i32
      %broadcast_in_dim3A_250 = vector.broadcast %jit3A_249 : i32 to vector<16xi32>
      %select_n3A_251 = arith.select %gt3A_241, %broadcast_in_dim3A_250, %select_n3A_234 : vector<16xi1>, vector<16xi32>
      %select_n3A_252 = arith.select %gt3A_241, %get3A_240, %select_n3A_235 : vector<16xi1>, vector<16xf32>
      %add3A_253 = arith.constant 6656 : i32
      %add3A_254 = arith.addi %add3A_253, %mul3A_28 : i32
      %get3A_255 = arith.index_cast %add3A_254 : i32 to index
      %get3A_256 = tpu.vector_load %arg4[%get3A_255] {strides = array<i32>} : memref<8192xf32, #tpu.memory_space<vmem>>, vector<16xf32>,
      %get3A_257 = vector.shape_cast %get3A_256 : vector<16xf32> to vector<16xf32>
      %gt3A_258 = arith.cmpf ogt, %get3A_257, %select_n3A_252 : vector<16xf32>
      %gt3A_259 = arith.cmpf ogt, %get3A_257, %select_n3A_248 : vector<16xf32>
      %jit3A_260 = arith.constant 13 : i32
      %broadcast_in_dim3A_261 = vector.broadcast %jit3A_260 : i32 to vector<16xi32>
      %select_n3A_262 = arith.select %gt3A_259, %broadcast_in_dim3A_261, %select_n3A_246 : vector<16xi1>, vector<16xi32>
      %select_n3A_263 = arith.select %gt3A_258, %select_n3A_251, %select_n3A_262 : vector<16xi1>, vector<16xi32>
      %select_n3A_264 = arith.select %gt3A_259, %get3A_257, %select_n3A_248 : vector<16xi1>, vector<16xf32>
      %select_n3A_265 = arith.select %gt3A_258, %select_n3A_252, %select_n3A_264 : vector<16xi1>, vector<16xf32>
      %jit3A_266 = arith.constant 13 : i32
      %broadcast_in_dim3A_267 = vector.broadcast %jit3A_266 : i32 to vector<16xi32>
      %select_n3A_268 = arith.select %gt3A_258, %broadcast_in_dim3A_267, %select_n3A_251 : vector<16xi1>, vector<16xi32>
      %select_n3A_269 = arith.select %gt3A_258, %get3A_257, %select_n3A_252 : vector<16xi1>, vector<16xf32>
      %add3A_270 = arith.constant 7168 : i32
      %add3A_271 = arith.addi %add3A_270, %mul3A_28 : i32
      %get3A_272 = arith.index_cast %add3A_271 : i32 to index
      %get3A_273 = tpu.vector_load %arg4[%get3A_272] {strides = array<i32>} : memref<8192xf32, #tpu.memory_space<vmem>>, vector<16xf32>,
      %get3A_274 = vector.shape_cast %get3A_273 : vector<16xf32> to vector<16xf32>
      %gt3A_275 = arith.cmpf ogt, %get3A_274, %select_n3A_269 : vector<16xf32>
      %gt3A_276 = arith.cmpf ogt, %get3A_274, %select_n3A_265 : vector<16xf32>
      %jit3A_277 = arith.constant 14 : i32
      %broadcast_in_dim3A_278 = vector.broadcast %jit3A_277 : i32 to vector<16xi32>
      %select_n3A_279 = arith.select %gt3A_276, %broadcast_in_dim3A_278, %select_n3A_263 : vector<16xi1>, vector<16xi32>
      %select_n3A_280 = arith.select %gt3A_275, %select_n3A_268, %select_n3A_279 : vector<16xi1>, vector<16xi32>
      %select_n3A_281 = arith.select %gt3A_276, %get3A_274, %select_n3A_265 : vector<16xi1>, vector<16xf32>
      %select_n3A_282 = arith.select %gt3A_275, %select_n3A_269, %select_n3A_281 : vector<16xi1>, vector<16xf32>
      %jit3A_283 = arith.constant 14 : i32
      %broadcast_in_dim3A_284 = vector.broadcast %jit3A_283 : i32 to vector<16xi32>
      %select_n3A_285 = arith.select %gt3A_275, %broadcast_in_dim3A_284, %select_n3A_268 : vector<16xi1>, vector<16xi32>
      %select_n3A_286 = arith.select %gt3A_275, %get3A_274, %select_n3A_269 : vector<16xi1>, vector<16xf32>
      %add3A_287 = arith.constant 7680 : i32
      %add3A_288 = arith.addi %add3A_287, %mul3A_28 : i32
      %get3A_289 = arith.index_cast %add3A_288 : i32 to index
      %get3A_290 = tpu.vector_load %arg4[%get3A_289] {strides = array<i32>} : memref<8192xf32, #tpu.memory_space<vmem>>, vector<16xf32>,
      %get3A_291 = vector.shape_cast %get3A_290 : vector<16xf32> to vector<16xf32>
      %gt3A_292 = arith.cmpf ogt, %get3A_291, %select_n3A_286 : vector<16xf32>
      %gt3A_293 = arith.cmpf ogt, %get3A_291, %select_n3A_282 : vector<16xf32>
      %jit3A_294 = arith.constant 15 : i32
      %broadcast_in_dim3A_295 = vector.broadcast %jit3A_294 : i32 to vector<16xi32>
      %select_n3A_296 = arith.select %gt3A_293, %broadcast_in_dim3A_295, %select_n3A_280 : vector<16xi1>, vector<16xi32>
      %select_n3A_297 = arith.select %gt3A_292, %select_n3A_285, %select_n3A_296 : vector<16xi1>, vector<16xi32>
      %select_n3A_298 = arith.select %gt3A_293, %get3A_291, %select_n3A_282 : vector<16xi1>, vector<16xf32>
      %select_n3A_299 = arith.select %gt3A_292, %select_n3A_286, %select_n3A_298 : vector<16xi1>, vector<16xf32>
      %jit3A_300 = arith.constant 15 : i32
      %broadcast_in_dim3A_301 = vector.broadcast %jit3A_300 : i32 to vector<16xi32>
      %select_n3A_302 = arith.select %gt3A_292, %broadcast_in_dim3A_301, %select_n3A_285 : vector<16xi1>, vector<16xi32>
      %select_n3A_303 = arith.select %gt3A_292, %get3A_291, %select_n3A_286 : vector<16xi1>, vector<16xf32>
      %add3A_304 = arith.addf %select_n3A_303, %select_n3A_299 : vector<16xf32>
      %div3A = arith.constant 1.000000e+00 : f32
      %div3A_305 = vector.broadcast %div3A : f32 to vector<16xf32>
      %div3A_306 = arith.divf %div3A_305, %add3A_304 : vector<16xf32>
      %mul3A_307 = arith.mulf %select_n3A_303, %div3A_306 : vector<16xf32>
      %bitcast_convert_type3A = tpu.bitcast %mul3A_307 : vector<16xf32> -> vector<16xi32>
      %swap3A = arith.index_cast %mul3A_28 : i32 to index
      %swap3A_308 = tpu.vector_load %arg5[%swap3A] {strides = array<i32>} : memref<2048xi32, #tpu.memory_space<vmem>>, vector<16xi32>,
      %swap3A_309 = vector.shape_cast %swap3A_308 : vector<16xi32> to vector<16xi32>
      %swap3A_310 = vector.shape_cast %bitcast_convert_type3A : vector<16xi32> to vector<16xi32>
      tpu.vector_store %arg5[%swap3A], %swap3A_310 {strides = array<i32>} : memref<2048xi32, #tpu.memory_space<vmem>>, vector<16xi32>,
      %mul3A_311 = arith.mulf %select_n3A_299, %div3A_306 : vector<16xf32>
      %bitcast_convert_type3A_312 = tpu.bitcast %mul3A_311 : vector<16xf32> -> vector<16xi32>
      %add3A_313 = arith.constant 512 : i32
      %add3A_314 = arith.addi %add3A_313, %mul3A_28 : i32
      %swap3A_315 = arith.index_cast %add3A_314 : i32 to index
      %swap3A_316 = tpu.vector_load %arg5[%swap3A_315] {strides = array<i32>} : memref<2048xi32, #tpu.memory_space<vmem>>, vector<16xi32>,
      %swap3A_317 = vector.shape_cast %swap3A_316 : vector<16xi32> to vector<16xi32>
      %swap3A_318 = vector.shape_cast %bitcast_convert_type3A_312 : vector<16xi32> to vector<16xi32>
      tpu.vector_store %arg5[%swap3A_315], %swap3A_318 {strides = array<i32>} : memref<2048xi32, #tpu.memory_space<vmem>>, vector<16xi32>,
      %add3A_319 = arith.constant 1024 : i32
      %add3A_320 = arith.addi %add3A_319, %mul3A_28 : i32
      %swap3A_321 = arith.index_cast %add3A_320 : i32 to index
      %swap3A_322 = tpu.vector_load %arg5[%swap3A_321] {strides = array<i32>} : memref<2048xi32, #tpu.memory_space<vmem>>, vector<16xi32>,
      %swap3A_323 = vector.shape_cast %swap3A_322 : vector<16xi32> to vector<16xi32>
      %swap3A_324 = vector.shape_cast %select_n3A_302 : vector<16xi32> to vector<16xi32>
      tpu.vector_store %arg5[%swap3A_321], %swap3A_324 {strides = array<i32>} : memref<2048xi32, #tpu.memory_space<vmem>>, vector<16xi32>,
      %add3A_325 = arith.constant 1536 : i32
      %add3A_326 = arith.addi %add3A_325, %mul3A_28 : i32
      %swap3A_327 = arith.index_cast %add3A_326 : i32 to index
      %swap3A_328 = tpu.vector_load %arg5[%swap3A_327] {strides = array<i32>} : memref<2048xi32, #tpu.memory_space<vmem>>, vector<16xi32>,
      %swap3A_329 = vector.shape_cast %swap3A_328 : vector<16xi32> to vector<16xi32>
      %swap3A_330 = vector.shape_cast %select_n3A_297 : vector<16xi32> to vector<16xi32>
      tpu.vector_store %arg5[%swap3A_327], %swap3A_330 {strides = array<i32>} : memref<2048xi32, #tpu.memory_space<vmem>>, vector<16xi32>,
      %scan3A_331 = arith.constant 0 : i32
      scf.yield %scan3A_331 : i32
    }
    %scan3A_8 = arith.constant 32 : i32
    %mul3A_9 = arith.constant 512 : i32
    %mul3A_10 = arith.muli %add3A, %mul3A_9 : i32
    %add3A_11 = arith.constant 0 : i32
    %add3A_12 = arith.addi %add3A_11, %mul3A_10 : i32
    "tpu.region"() ({
      %run_scoped3A = tpu.sem_alloc : memref<!tpu.dma_semaphore, #tpu.memory_space<semaphore_mem>>
      %dma_start3A = arith.constant 0 : i32
      %dma_start3A_25 = tpu.memref_slice %arg5[%dma_start3A] : memref<2048xi32, #tpu.memory_space<vmem>> -> memref<512xi32, #tpu.memory_space<vmem>>
      %dma_start3A_26 = tpu.memref_slice %arg3[%add3A_12] : memref<65536xi32, #tpu.memory_space<hbm>> -> memref<512xi32, #tpu.memory_space<hbm>>
      %dma_start3A_27 = tpu.memref_slice %arg3[%add3A_12] : memref<65536xi32, #tpu.memory_space<hbm>> -> memref<512xi32, #tpu.memory_space<hbm>>
      %dma_start3A_28 = arith.constant 0 : i32
      %dma_start3A_29 = tpu.memref_slice %arg5[%dma_start3A_28] : memref<2048xi32, #tpu.memory_space<vmem>> -> memref<512xi32, #tpu.memory_space<vmem>>
      tpu.enqueue_dma source(%dma_start3A_29 : memref<512xi32, #tpu.memory_space<vmem>>) target(%dma_start3A_27 : memref<512xi32, #tpu.memory_space<hbm>>) target_semaphore(%run_scoped3A : memref<!tpu.dma_semaphore, #tpu.memory_space<semaphore_mem>>)
      %dma_wait3A = arith.constant 0 : i32
      %dma_wait3A_30 = tpu.memref_slice %arg5[%dma_wait3A] : memref<2048xi32, #tpu.memory_space<vmem>> -> memref<512xi32, #tpu.memory_space<vmem>>
      %dma_wait3A_31 = tpu.memref_slice %arg3[%add3A_12] : memref<65536xi32, #tpu.memory_space<hbm>> -> memref<512xi32, #tpu.memory_space<hbm>>
      %dma_wait3A_32 = tpu.memref_slice %arg3[%add3A_12] : memref<65536xi32, #tpu.memory_space<hbm>> -> memref<512xi32, #tpu.memory_space<hbm>>
      %dma_wait3A_33 = arith.constant 0 : i32
      %dma_wait3A_34 = tpu.memref_slice %arg5[%dma_wait3A_33] : memref<2048xi32, #tpu.memory_space<vmem>> -> memref<512xi32, #tpu.memory_space<vmem>>
      tpu.wait_dma2 semaphore(%run_scoped3A : memref<!tpu.dma_semaphore, #tpu.memory_space<semaphore_mem>>) src(%dma_wait3A_34 : memref<512xi32, #tpu.memory_space<vmem>>) dst(%dma_wait3A_32 : memref<512xi32, #tpu.memory_space<hbm>>)
      tpu.yield
    }) : () -> ()
    %mul3A_13 = arith.constant 512 : i32
    %mul3A_14 = arith.muli %add3A, %mul3A_13 : i32
    %add3A_15 = arith.constant 16384 : i32
    %add3A_16 = arith.addi %add3A_15, %mul3A_14 : i32
    "tpu.region"() ({
      %run_scoped3A = tpu.sem_alloc : memref<!tpu.dma_semaphore, #tpu.memory_space<semaphore_mem>>
      %dma_start3A = arith.constant 512 : i32
      %dma_start3A_25 = tpu.memref_slice %arg5[%dma_start3A] : memref<2048xi32, #tpu.memory_space<vmem>> -> memref<512xi32, #tpu.memory_space<vmem>>
      %dma_start3A_26 = tpu.memref_slice %arg3[%add3A_16] : memref<65536xi32, #tpu.memory_space<hbm>> -> memref<512xi32, #tpu.memory_space<hbm>>
      %dma_start3A_27 = tpu.memref_slice %arg3[%add3A_16] : memref<65536xi32, #tpu.memory_space<hbm>> -> memref<512xi32, #tpu.memory_space<hbm>>
      %dma_start3A_28 = arith.constant 512 : i32
      %dma_start3A_29 = tpu.memref_slice %arg5[%dma_start3A_28] : memref<2048xi32, #tpu.memory_space<vmem>> -> memref<512xi32, #tpu.memory_space<vmem>>
      tpu.enqueue_dma source(%dma_start3A_29 : memref<512xi32, #tpu.memory_space<vmem>>) target(%dma_start3A_27 : memref<512xi32, #tpu.memory_space<hbm>>) target_semaphore(%run_scoped3A : memref<!tpu.dma_semaphore, #tpu.memory_space<semaphore_mem>>)
      %dma_wait3A = arith.constant 512 : i32
      %dma_wait3A_30 = tpu.memref_slice %arg5[%dma_wait3A] : memref<2048xi32, #tpu.memory_space<vmem>> -> memref<512xi32, #tpu.memory_space<vmem>>
      %dma_wait3A_31 = tpu.memref_slice %arg3[%add3A_16] : memref<65536xi32, #tpu.memory_space<hbm>> -> memref<512xi32, #tpu.memory_space<hbm>>
      %dma_wait3A_32 = tpu.memref_slice %arg3[%add3A_16] : memref<65536xi32, #tpu.memory_space<hbm>> -> memref<512xi32, #tpu.memory_space<hbm>>
      %dma_wait3A_33 = arith.constant 512 : i32
      %dma_wait3A_34 = tpu.memref_slice %arg5[%dma_wait3A_33] : memref<2048xi32, #tpu.memory_space<vmem>> -> memref<512xi32, #tpu.memory_space<vmem>>
      tpu.wait_dma2 semaphore(%run_scoped3A : memref<!tpu.dma_semaphore, #tpu.memory_space<semaphore_mem>>) src(%dma_wait3A_34 : memref<512xi32, #tpu.memory_space<vmem>>) dst(%dma_wait3A_32 : memref<512xi32, #tpu.memory_space<hbm>>)
      tpu.yield
    }) : () -> ()
    %mul3A_17 = arith.constant 512 : i32
    %mul3A_18 = arith.muli %add3A, %mul3A_17 : i32
    %add3A_19 = arith.constant 32768 : i32
    %add3A_20 = arith.addi %add3A_19, %mul3A_18 : i32
    "tpu.region"() ({
      %run_scoped3A = tpu.sem_alloc : memref<!tpu.dma_semaphore, #tpu.memory_space<semaphore_mem>>
      %dma_start3A = arith.constant 1024 : i32
      %dma_start3A_25 = tpu.memref_slice %arg5[%dma_start3A] : memref<2048xi32, #tpu.memory_space<vmem>> -> memref<512xi32, #tpu.memory_space<vmem>>
      %dma_start3A_26 = tpu.memref_slice %arg3[%add3A_20] : memref<65536xi32, #tpu.memory_space<hbm>> -> memref<512xi32, #tpu.memory_space<hbm>>
      %dma_start3A_27 = tpu.memref_slice %arg3[%add3A_20] : memref<65536xi32, #tpu.memory_space<hbm>> -> memref<512xi32, #tpu.memory_space<hbm>>
      %dma_start3A_28 = arith.constant 1024 : i32
      %dma_start3A_29 = tpu.memref_slice %arg5[%dma_start3A_28] : memref<2048xi32, #tpu.memory_space<vmem>> -> memref<512xi32, #tpu.memory_space<vmem>>
      tpu.enqueue_dma source(%dma_start3A_29 : memref<512xi32, #tpu.memory_space<vmem>>) target(%dma_start3A_27 : memref<512xi32, #tpu.memory_space<hbm>>) target_semaphore(%run_scoped3A : memref<!tpu.dma_semaphore, #tpu.memory_space<semaphore_mem>>)
      %dma_wait3A = arith.constant 1024 : i32
      %dma_wait3A_30 = tpu.memref_slice %arg5[%dma_wait3A] : memref<2048xi32, #tpu.memory_space<vmem>> -> memref<512xi32, #tpu.memory_space<vmem>>
      %dma_wait3A_31 = tpu.memref_slice %arg3[%add3A_20] : memref<65536xi32, #tpu.memory_space<hbm>> -> memref<512xi32, #tpu.memory_space<hbm>>
      %dma_wait3A_32 = tpu.memref_slice %arg3[%add3A_20] : memref<65536xi32, #tpu.memory_space<hbm>> -> memref<512xi32, #tpu.memory_space<hbm>>
      %dma_wait3A_33 = arith.constant 1024 : i32
      %dma_wait3A_34 = tpu.memref_slice %arg5[%dma_wait3A_33] : memref<2048xi32, #tpu.memory_space<vmem>> -> memref<512xi32, #tpu.memory_space<vmem>>
      tpu.wait_dma2 semaphore(%run_scoped3A : memref<!tpu.dma_semaphore, #tpu.memory_space<semaphore_mem>>) src(%dma_wait3A_34 : memref<512xi32, #tpu.memory_space<vmem>>) dst(%dma_wait3A_32 : memref<512xi32, #tpu.memory_space<hbm>>)
      tpu.yield
    }) : () -> ()
    %mul3A_21 = arith.constant 512 : i32
    %mul3A_22 = arith.muli %add3A, %mul3A_21 : i32
    %add3A_23 = arith.constant 49152 : i32
    %add3A_24 = arith.addi %add3A_23, %mul3A_22 : i32
    "tpu.region"() ({
      %run_scoped3A = tpu.sem_alloc : memref<!tpu.dma_semaphore, #tpu.memory_space<semaphore_mem>>
      %dma_start3A = arith.constant 1536 : i32
      %dma_start3A_25 = tpu.memref_slice %arg5[%dma_start3A] : memref<2048xi32, #tpu.memory_space<vmem>> -> memref<512xi32, #tpu.memory_space<vmem>>
      %dma_start3A_26 = tpu.memref_slice %arg3[%add3A_24] : memref<65536xi32, #tpu.memory_space<hbm>> -> memref<512xi32, #tpu.memory_space<hbm>>
      %dma_start3A_27 = tpu.memref_slice %arg3[%add3A_24] : memref<65536xi32, #tpu.memory_space<hbm>> -> memref<512xi32, #tpu.memory_space<hbm>>
      %dma_start3A_28 = arith.constant 1536 : i32
      %dma_start3A_29 = tpu.memref_slice %arg5[%dma_start3A_28] : memref<2048xi32, #tpu.memory_space<vmem>> -> memref<512xi32, #tpu.memory_space<vmem>>
      tpu.enqueue_dma source(%dma_start3A_29 : memref<512xi32, #tpu.memory_space<vmem>>) target(%dma_start3A_27 : memref<512xi32, #tpu.memory_space<hbm>>) target_semaphore(%run_scoped3A : memref<!tpu.dma_semaphore, #tpu.memory_space<semaphore_mem>>)
      %dma_wait3A = arith.constant 1536 : i32
      %dma_wait3A_30 = tpu.memref_slice %arg5[%dma_wait3A] : memref<2048xi32, #tpu.memory_space<vmem>> -> memref<512xi32, #tpu.memory_space<vmem>>
      %dma_wait3A_31 = tpu.memref_slice %arg3[%add3A_24] : memref<65536xi32, #tpu.memory_space<hbm>> -> memref<512xi32, #tpu.memory_space<hbm>>
      %dma_wait3A_32 = tpu.memref_slice %arg3[%add3A_24] : memref<65536xi32, #tpu.memory_space<hbm>> -> memref<512xi32, #tpu.memory_space<hbm>>
      %dma_wait3A_33 = arith.constant 1536 : i32
      %dma_wait3A_34 = tpu.memref_slice %arg5[%dma_wait3A_33] : memref<2048xi32, #tpu.memory_space<vmem>> -> memref<512xi32, #tpu.memory_space<vmem>>
      tpu.wait_dma2 semaphore(%run_scoped3A : memref<!tpu.dma_semaphore, #tpu.memory_space<semaphore_mem>>) src(%dma_wait3A_34 : memref<512xi32, #tpu.memory_space<vmem>>) dst(%dma_wait3A_32 : memref<512xi32, #tpu.memory_space<hbm>>)
      tpu.yield
    }) : () -> ()
    return
  }
}

module attributes {stable_mosaic.version = 14 : i64} {
  func.func @_router_tc_body(%arg0: i32, %arg1: memref<1024x2048xf32, #tpu.memory_space<vmem>>, %arg2: memref<16x2048xf32, #tpu.memory_space<vmem>>, %arg3: memref<1x16xf32, #tpu.memory_space<vmem>>, %arg4: memref<1024x16xf32, #tpu.memory_space<vmem>>, %arg5: memref<1024x16xf32, #tpu.memory_space<vmem>>, %arg6: memref<16384xf32, #tpu.memory_space<vmem>>) attributes {dimension_semantics = [#tpu.dimension_semantics<parallel>], iteration_bounds = array<i64: 16>, scalar_prefetch = 0 : i64, scratch_operands = 0 : i64, tpu.core_type = #tpu.core_type<tc>, window_params = [{transform_indices = @transform_0, window_bounds = array<i64: 1024, 2048>}, {pipeline_mode = #tpu.pipeline_mode<synchronous>, transform_indices = @transform_1, window_bounds = array<i64: 16, 2048>}, {pipeline_mode = #tpu.pipeline_mode<synchronous>, transform_indices = @transform_2, window_bounds = array<i64: 1, 16>}, {transform_indices = @transform_3, window_bounds = array<i64: 1024, 16>}, {transform_indices = @transform_4, window_bounds = array<i64: 1024, 16>}, {transform_indices = @transform_5, window_bounds = array<i64: 16384>}]} {
    %get3A = arith.constant 0 : index
    %get3A_0 = arith.constant 0 : index
    %get3A_1 = vector.load %arg1[%get3A, %get3A_0] : memref<1024x2048xf32, #tpu.memory_space<vmem>>, vector<1024x2048xf32>
    %get3A_2 = arith.constant 0 : index
    %get3A_3 = arith.constant 0 : index
    %get3A_4 = vector.load %arg2[%get3A_2, %get3A_3] : memref<16x2048xf32, #tpu.memory_space<vmem>>, vector<16x2048xf32>
    %dot_general3A = arith.constant dense<0.000000e+00> : vector<1024x16xf32>
    %dot_general3A_5 = tpu.matmul %get3A_1, %get3A_4, %dot_general3A {dimension_numbers = #tpu.dot_dimension_numbers<[1], [1], [0], [0], [0, 0, 1, 0], [], []>, transpose_lhs_hint = false} : vector<1024x2048xf32>, vector<16x2048xf32>, vector<1024x16xf32> -> vector<1024x16xf32>
    %get3A_6 = arith.constant 0 : index
    %get3A_7 = arith.constant 0 : index
    %get3A_8 = vector.load %arg3[%get3A_6, %get3A_7] : memref<1x16xf32, #tpu.memory_space<vmem>>, vector<1x16xf32>
    %add3A = vector.broadcast %get3A_8 : vector<1x16xf32> to vector<1024x16xf32>
    %add3A_9 = arith.addf %dot_general3A_5, %add3A : vector<1024x16xf32>
    %swap3A = arith.constant 0 : index
    %swap3A_10 = arith.constant 0 : index
    %swap3A_11 = vector.load %arg4[%swap3A, %swap3A_10] : memref<1024x16xf32, #tpu.memory_space<vmem>>, vector<1024x16xf32>
    tpu.vector_store %arg4[%swap3A, %swap3A_10], %add3A_9 {strides = array<i32>} : memref<1024x16xf32, #tpu.memory_space<vmem>>, vector<1024x16xf32>,
    %reduce_max3A = arith.constant dense<0xFF800000> : vector<1024xf32>
    %reduce_max3A_12 = vector.multi_reduction <maximumf>, %add3A_9, %reduce_max3A [1] : vector<1024x16xf32> to vector<1024xf32>
    %broadcast_in_dim3A = vector.shape_cast %reduce_max3A_12 : vector<1024xf32> to vector<1024x1xf32>
    %sub3A = vector.broadcast %broadcast_in_dim3A : vector<1024x1xf32> to vector<1024x16xf32>
    %sub3A_13 = arith.subf %add3A_9, %sub3A : vector<1024x16xf32>
    %exp3A = math.exp %sub3A_13 : vector<1024x16xf32>
    %reduce_sum3A = arith.constant dense<0.000000e+00> : vector<1024xf32>
    %reduce_sum3A_14 = vector.multi_reduction <add>, %exp3A, %reduce_sum3A [1] : vector<1024x16xf32> to vector<1024xf32>
    %broadcast_in_dim3A_15 = vector.shape_cast %reduce_sum3A_14 : vector<1024xf32> to vector<1024x1xf32>
    %div3A = vector.broadcast %broadcast_in_dim3A_15 : vector<1024x1xf32> to vector<1024x16xf32>
    %div3A_16 = arith.divf %exp3A, %div3A : vector<1024x16xf32>
    %swap3A_17 = arith.constant 0 : index
    %swap3A_18 = arith.constant 0 : index
    %swap3A_19 = vector.load %arg5[%swap3A_17, %swap3A_18] : memref<1024x16xf32, #tpu.memory_space<vmem>>, vector<1024x16xf32>
    tpu.vector_store %arg5[%swap3A_17, %swap3A_18], %div3A_16 {strides = array<i32>} : memref<1024x16xf32, #tpu.memory_space<vmem>>, vector<1024x16xf32>,
    %slice3A = vector.extract_strided_slice %div3A_16 {offsets = [0, 0], sizes = [512, 16], strides = [1, 1]} : vector<1024x16xf32> to vector<512x16xf32>
    %transpose3A = tpu.transpose %slice3A, [1, 0] : vector<512x16xf32> -> vector<16x512xf32>
    %reshape3A = vector.shape_cast %transpose3A : vector<16x512xf32> to vector<8192xf32>
    %swap3A_20 = arith.constant 0 : index
    %swap3A_21 = vector.load %arg6[%swap3A_20] : memref<16384xf32, #tpu.memory_space<vmem>>, vector<8192xf32>
    tpu.vector_store %arg6[%swap3A_20], %reshape3A {strides = array<i32>} : memref<16384xf32, #tpu.memory_space<vmem>>, vector<8192xf32>,
    %slice3A_22 = vector.extract_strided_slice %div3A_16 {offsets = [512, 0], sizes = [512, 16], strides = [1, 1]} : vector<1024x16xf32> to vector<512x16xf32>
    %transpose3A_23 = tpu.transpose %slice3A_22, [1, 0] : vector<512x16xf32> -> vector<16x512xf32>
    %reshape3A_24 = vector.shape_cast %transpose3A_23 : vector<16x512xf32> to vector<8192xf32>
    %swap3A_25 = arith.constant 8192 : index
    %swap3A_26 = vector.load %arg6[%swap3A_25] : memref<16384xf32, #tpu.memory_space<vmem>>, vector<8192xf32>
    tpu.vector_store %arg6[%swap3A_25], %reshape3A_24 {strides = array<i32>} : memref<16384xf32, #tpu.memory_space<vmem>>, vector<8192xf32>,
    return
  }
  func.func @transform_0(%arg0: i32) -> (i32, i32) {
    %c0_i32 = arith.constant 0 : i32
    %c0_i32_0 = arith.constant 0 : i32
    return %arg0, %c0_i32 : i32, i32
  }
  func.func @transform_1(%arg0: i32) -> (i32, i32) {
    %c0_i32 = arith.constant 0 : i32
    %c0_i32_0 = arith.constant 0 : i32
    %c0_i32_1 = arith.constant 0 : i32
    return %c0_i32, %c0_i32_0 : i32, i32
  }
  func.func @transform_2(%arg0: i32) -> (i32, i32) {
    %c0_i32 = arith.constant 0 : i32
    %c0_i32_0 = arith.constant 0 : i32
    %c0_i32_1 = arith.constant 0 : i32
    return %c0_i32, %c0_i32_0 : i32, i32
  }
  func.func @transform_3(%arg0: i32) -> (i32, i32) {
    %c0_i32 = arith.constant 0 : i32
    %c0_i32_0 = arith.constant 0 : i32
    return %arg0, %c0_i32 : i32, i32
  }
  func.func @transform_4(%arg0: i32) -> (i32, i32) {
    %c0_i32 = arith.constant 0 : i32
    %c0_i32_0 = arith.constant 0 : i32
    return %arg0, %c0_i32 : i32, i32
  }
  func.func @transform_5(%arg0: i32) -> i32 {
    %c0_i32 = arith.constant 0 : i32
    return %arg0 : i32
  }
}

</mosaic_0001>

<sc_bundles>
// kernel: kernel.4.cloned.1.call-start
scs
__scs_entry_jumppad:
0x0: {  	(pc) =	sbr.rel $0x88, $3  }
0x1: {  	(tag) =	ssettag $0x0;
	lr =	simm.s32 $0x1  }
0x2: {  	[smem:$0x3F9E] =	sst lr;
	_ =	strace $0xD0000000  }
0x3: {  	_ = 	snop  }
0x4: {  	_ = 	snop  }
0x5: {  	_ = 	snop  }
0x6: {  	_ = 	snop  }
0x7: {  	_ = 	snop  }
__scs_overlays_trampoline_lowered:
0x8: {  	[smem:$0x3FAD] =	sst s0  }
0x9: {  	[smem:$0x3FAE] =	sst s1  }
0xa: {  	[smem:$0x3FAF] =	sst s2  }
0xb: {  	[smem:$0x3FB0] =	sst s3  }
0xc: {  	[smem:$0x3FB1] =	sst s4  }
0xd: {  	[smem:$0x3FB2] =	sst s5  }
0xe: {  	[smem:$0x3FB3] =	sst s6  }
0xf: {  	[smem:$0x3FB4] =	sst s7  }
0x10: {  	[smem:$0x3FB5] =	sst s8  }
0x11: {  	[smem:$0x3FB6] =	sst s9;
	s0 =	simm.s32 @!p0 $0x0  }
0x12: {  	s1 =	sld [smem:$0x3F9C];
	s0 =	simm.s32 @p0 $0x1  }
0x13: {  	[smem:$0x3FB7] =	sst s0;
	s0 =	simm.s32 @!p1 $0x0  }
0x14: {  	s2 =	sld [smem:$0x3F9B];
	s0 =	simm.s32 @p1 $0x1  }
0x15: {  	[smem:$0x3FB8] =	sst s0;
	s0 =	simm.s32 @!p2 $0x0  }
0x16: {  	s3 =	sld [smem:$0x3FDB];
	s0 =	simm.s32 @p2 $0x1  }
0x17: {  	s4 =	simm.s32 $0x1BF5;
	[smem:$0x3FBA] =	sst s0  }
0x18: {  	s0 =	sld [smem:$0x3F9D];
	_ =	swait.ge [sflag:s4], $0x0  }
0x19: {  	s7 =	sld [smem:$0x3F9E]  }
0x1a: {  	s8 =	sadd.s32 $0xFFFFE003, lr  }
0x1b: {  	s9 =	sadd.s32 $0xFFFFFEF7, lr;
	s5 =	simm.s32 $0xFFFFFFFF;
	p2 =	slt.u32 s8, $0xFFFFF086  }
0x1c: {  	p1 =	slt.u32 s9, $0xF7A;
	s5 =	simm.s32 @!p2 $0x0  }
0x1d: {  	s5 =	simm.s32 @p1 $0x1;
	p0 =	seq.s32 s7, s2  }
0x1e: {  	s7 =	smul.u32 @!p0 $0xF7A, s2;
	p2 =	seq.s32 @!p0 s5, $0x0  }
0x1f: {  	s9 =	smul.u32 $0xF7A, s1;
	s8 =	simm.s32 @!p0 $0x1BF5;
	p2 =	por !p2, p0  }
0x20: {  	[sflag:s8] =	ssyncset.s32 @!p0 $0xFFFFF086;
	s6 =	sadd.s32 @!p0 s3, s7;
	s7 =	simm.s32 @!p0 $0x108  }
0x21: {  	s3 =	sadd.s32 s3, s9;
	s6 =	sadd.s32 @!p0 $0x88, s6;
	s7 =	simm.s32 @p2 $0x1082  }
0x22: {  	[simem:s7], [sflag:s8] =	dma.local @!p0 [hbm:s6], $0xF7A  }
0x23: {  	s9 =	sor.u32 $0xD0000000, s2;
	s6 =	simm.s32 $0x108;
	_ =	swait.ge @!p0 [sflag:s8], $0x0  }
0x24: {  	s3 =	sadd.s32 $0x88, s3;
	s6 =	simm.s32 @!p1 $0x1082;
	[sflag:s4] =	ssyncset.s32 $0xFFFFF086  }
0x25: {  	[simem:s6], [sflag:s4] =	dma.local [hbm:s3], $0xF7A  }
0x26: {  	[smem:$0x3F9E] =	sst s1;
	(tag) =	ssettag s2;
	_ =	strace s9  }
0x27: {  	s1 =	sld [smem:$0x3FAE]  }
0x28: {  	s2 =	sld [smem:$0x3FAF]  }
0x29: {  	s4 =	sld [smem:$0x3FB1]  }
0x2a: {  	p0 =	seq.s32 s5, $0x0;
	s5 =	sld [smem:$0x3FB2]  }
0x2b: {  	s6 =	sld [smem:$0x3FB3]  }
0x2c: {  	s7 =	sld [smem:$0x3FB4]  }
0x2d: {  	s3 =	simm.s32 $0x108;
	s8 =	sld [smem:$0x3FB5]  }
0x2e: {  	s3 =	simm.s32 @!p0 $0x1082;
	s9 =	sld [smem:$0x3FB6]  }
0x2f: {  	lr =	sadd.s32 s0, s3;
	s0 =	sld [smem:$0x3FAD]  }
0x30: {  	s3 =	sld [smem:$0x3FB0]  }
0x31: {  	[smem:$0x3FB9] =	sst s10  }
0x32: {  	s10 =	sld [smem:$0x3FB7];
	_ =	sdelay $0x3  }
0x33: {  	p0 =	seq.s32 s10, $0x1;
	s10 =	sld [smem:$0x3FB9];
	_ =	sdelay $0x3  }
0x34: {  	[smem:$0x3FB9] =	sst s10  }
0x35: {  	s10 =	sld [smem:$0x3FB8];
	_ =	sdelay $0x3  }
0x36: {  	p1 =	seq.s32 s10, $0x1;
	s10 =	sld [smem:$0x3FB9];
	_ =	sdelay $0x3  }
0x37: {  	[smem:$0x3FB9] =	sst s10  }
0x38: {  	s10 =	sld [smem:$0x3FBA]  }
0x39: {  	_ = 	snop;
	(pc) =	sbr.ind lr, $3  }
0x3a: {  	_ = 	snop  }
0x3b: {  	_ = 	snop  }
0x3c: {  	p2 =	seq.s32 s10, $0x1;
	s10 =	sld [smem:$0x3FB9]  }
0x3d: {  	_ =	shalt  }
0x3e: {  	_ =	shalt  }
0x3f: {  	_ =	shalt  }
0x40: {  	_ =	shalt  }
0x41: {  	_ =	shalt  }
0x42: {  	_ =	shalt  }
0x43: {  	_ =	shalt  }
0x44: {  	_ =	shalt  }
0x45: {  	_ =	shalt  }
0x46: {  	_ =	shalt  }
0x47: {  	_ =	shalt  }
0x48: {  	_ =	shalt  }
0x49: {  	_ =	shalt  }
0x4a: {  	_ =	shalt  }
0x4b: {  	_ =	shalt  }
0x4c: {  	_ =	shalt  }
0x4d: {  	_ =	shalt  }
0x4e: {  	_ =	shalt  }
0x4f: {  	_ =	shalt  }
0x50: {  	_ =	shalt  }
0x51: {  	_ =	shalt  }
0x52: {  	_ =	shalt  }
0x53: {  	_ =	shalt  }
0x54: {  	_ =	shalt  }
0x55: {  	_ =	shalt  }
0x56: {  	_ =	shalt  }
0x57: {  	_ =	shalt  }
0x58: {  	_ =	shalt  }
0x59: {  	_ =	shalt  }
0x5a: {  	_ =	shalt  }
0x5b: {  	_ =	shalt  }
0x5c: {  	_ =	shalt  }
0x5d: {  	_ =	shalt  }
0x5e: {  	_ =	shalt  }
0x5f: {  	_ =	shalt  }
0x60: {  	_ =	shalt  }
0x61: {  	_ =	shalt  }
0x62: {  	_ =	shalt  }
0x63: {  	_ =	shalt  }
0x64: {  	_ =	shalt  }
0x65: {  	_ =	shalt  }
0x66: {  	_ =	shalt  }
0x67: {  	_ =	shalt  }
0x68: {  	_ =	shalt  }
0x69: {  	_ =	shalt  }
0x6a: {  	_ =	shalt  }
0x6b: {  	_ =	shalt  }
0x6c: {  	_ =	shalt  }
0x6d: {  	_ =	shalt  }
0x6e: {  	_ =	shalt  }
0x6f: {  	_ =	shalt  }
0x70: {  	_ =	shalt  }
0x71: {  	_ =	shalt  }
0x72: {  	_ =	shalt  }
0x73: {  	_ =	shalt  }
0x74: {  	_ =	shalt  }
0x75: {  	_ =	shalt  }
0x76: {  	_ =	shalt  }
0x77: {  	_ =	shalt  }
0x78: {  	_ =	shalt  }
0x79: {  	_ =	shalt  }
0x7a: {  	_ =	shalt  }
0x7b: {  	_ =	shalt  }
0x7c: {  	_ =	shalt  }
0x7d: {  	_ =	shalt  }
0x7e: {  	_ =	shalt  }
0x7f: {  	_ =	shalt  }
0x80: {  	_ =	shalt  }
0x81: {  	_ =	shalt  }
0x82: {  	_ =	shalt  }
0x83: {  	_ =	shalt  }
0x84: {  	_ =	shalt  }
0x85: {  	_ =	shalt  }
0x86: {  	_ =	shalt  }
0x87: {  	_ =	shalt  }
.Lfunc_end0:
.L_simem_size_0:
called_computation_lowered:
.L_overlay_start_0:
0x88: {  	s2 =	sld [smem:$0x3FD9]  }
0x89: {  	s3 =	sld [smem:$0x3FFE];
	_ =	sdelay $0x1  }
0x8a: {  	s1 =	srdreg.scid  }
0x8b: {  	s0 =	sand.u32 $0x1, s1  }
0x8c: {  	s16 =	sshll.u32 s0, $0xA;
	s2 =	sadd.s32 s3, s2  }
0x8d: {  	s2 =	sadd.s32 s2, s16  }
0x8e: {  	[smem:$0x3FC5] =	sst s2  }
0x8f: {  	_ = 	snop  }
0x90: {  	(tm) =	ssettm $0x1  }
0x91: {  	s17 =	sld [smem:$0x3FFB];
	_ =	sdelay $0x3  }
0x92: {  	_ =	strace s17  }
0x93: {  	s2 =	sld [smem:$0x3FFC];
	_ =	sdelay $0x3  }
0x94: {  	_ =	strace s2  }
0x95: {  	s2 =	sld [smem:$0x3FFD];
	_ =	sdelay $0x3  }
0x96: {  	_ =	strace s2  }
0x97: {  	_ =	strace $0x8FFFFFFF  }
0x98: {  	s18 =	sld [smem:$0x3FDB];
	_ =	sdelay $0x1  }
0x99: {  	s19 =	simm.s32 $_scs_section_size  }
0x9a: {  	s4 =	simm.s32 $_size__tile_overlayer_lowered;
	s5 =	simm.s32 $_tile_overlayer_lowered  }
0x9b: {  	s22 =	simm.s32 $0x1BFF;
	s21 =	sshll.u32 s5, $0x1;
	s2 =	sadd.s32 s19, s18  }
0x9c: {  	s6 =	simm.s32 $0x0;
	s20 =	sshll.u32 s4, $0x1;
	s4 =	sadd.s32 s21, s2  }
0x9d: {  	[timem:s6], [sflag:s22] =	dma.local [hbm:s4], s20  }
0x9e: {  	_ =	swait.ge [sflag:s22], s20  }
0x9f: {  	s3 =	ssub.s32 $0x0, s20;
	[sflag:s22] =	ssyncset.done $0x0  }
0xa0: {  	[sflag:s22] =	ssyncadd.s32 s3;
	_ =	sdelay $0x1  }
0xa1: {  	s23 =	simm.s32 $0x1B8B  }
0xa2: {  	_ =	swait.ge [sflag:s23], $0x1  }
0xa3: {  	[sflag:s23] =	ssyncset.done $0x0  }
0xa4: {  	s25 =	simm.s32 $0x1B8E;
	s24 =	sld [smem:$0x3FFE];
	[sflag:s23] =	ssyncadd.s32 $0xFFFFFFFF  }
0xa5: {  	s26 =	simm.s32 $execute0_lowered;
	[smem:$0x3FD2] =	sst s25  }
0xa6: {  	s4 =	sshll.u32 s26, $0x1;
	_ =	strace $0x80000046;
	[dreg:$0x1] =	wrdreg $0xFFFFFFFF  }
0xa7: {  	s28 =	simm.s32 $_size_execute0_lowered;
	s2 =	sadd.s32 s2, s4;
	[dreg:$0x0] =	wrdreg $0x0  }
0xa8: {  	s4 =	sshll.u32 s28, $0x1;
	[dreg:$0x2] =	wrdreg s2  }
0xa9: {  	[dreg:$0x3] =	wrdreg s4  }
0xaa: {  	[dreg:$0x4] =	wrdreg $0xC0  }
0xab: {  	_ =	task [dreg:s6], $0x5FFFF  }
0xac: {  	[dreg:$0x1] =	wrdreg $0xFFFFFFFF  }
0xad: {  	[dreg:$0x0] =	wrdreg $0x60  }
0xae: {  	[dreg:$0x2] =	wrdreg s24  }
0xaf: {  	[dreg:$0x3] =	wrdreg $0x9  }
0xb0: {  	_ =	task.clear_ibuf [dreg:s6], $0x4FFFF;
	_ =	strace $0x90000046  }
0xb1: {  	s29 =	simm.s32 $0x9;
	_ =	strace $0x80000048  }
0xb2: {  	_ =	swait.ge [sflag:s29], $0x1  }
0xb3: {  	[sflag:s29] =	ssyncadd.s32 $0xFFFFFFFF  }
0xb4: {  	_ =	strace $0x90000048  }
0xb5: {  	_ =	sfence  }
0xb6: {  	s30 =	sld [smem:$0x0];
	_ =	sdelay $0x2  }
0xb7: {  	s31 =	sshll.u32 s1, $0xD;
	s1 =	sshrl.u32 s1, $0x2  }
0xb8: {  	s3 =	sand.u32 $0x4000, s31;
	s1 =	sadd.s32 s1, s30  }
0xb9: {  	s0 =	sor.u32 s3, s0;
	s1 =	sshll.u32 s1, $0x11  }
0xba: {  	s0 =	sor.u32 s1, s0  }
0xbb: {  	s0 =	sadd.s32 $0x8F2B, s0  }
0xbc: {  	[sflag:s0] =	ssyncadd.remote.s32 $0x1  }
0xbd: {  	_ =	sfence.sel $0xFFFF  }
0xbe: {  	[dreg:$0x0] =	wrdreg $0xFFFFFFFF;
	(pc) =	sbr.abs _section_cstart, $3  }
0xbf: {  	[dreg:$0x1] =	wrdreg $0xFFFFFFFF  }
0xc0: {  	_ =	task.clear_ibuf [dreg:s6], $0x2FFFF;
	_ =	strace $0x9FFFFFFF  }
0xc1: {  	(tm) =	ssettm $0x7FFFFFFF  }
tec
execute0_lowered:
.L_overlay_start_1:
0x0: {  	(tag) =	ssettag $0x1  }
0x1: {  	s3 =	rddreg [dreg:$0x0]  }
0x2: {  	s0 =	rddreg [dreg:$0x1]  }
0x3: {  	s2 =	simm.s32 $0x0;
	s4 =	srdreg.scid;
	s1 =	stileid.u32  }
0x4: {  	s10 =	simm.s32 $0x2000;
	s11 =	simm.s32 $0x2200;
	s12 =	simm.s32 $0x2400  }
0x5: {  	s13 =	simm.s32 $0x2600;
	s4 =	sand.u32 $0x1, s4;
	s5 =	sshll.u32 s1, $0x1  }
0x6: {  	s14 =	simm.s32 $0x0;
	[smem:$0x7FF] =	sst s2;
	s5 =	sor.u32 s4, s5  }
0x7: {  	_ =	strace $0x80000047;
	s4 =	ssub.s32 $0x2, s4;
	s6 =	sshll.u32 s5, $0xA  }
0x8: {  	s5 =	sshll.u32 s5, $0x6;
	s7 =	sshrl.u32 s4, $0x1;
	s6 =	sadd.s32 s6, s3  }
0x9: {  	s8 =	sadd.s32 s5, s3;
	s9 =	ssub.s32 s4, s7;
	s3 =	sadd.s32 $0xC00, s6  }
0xa: {  	s4 =	sadd.s32 $0x8C00, s8;
	s5 =	sadd.s32 $0x9400, s8;
	s6 =	sadd.s32 $0x9C00, s8  }
0xb: {  	v0 =	vimm.s32 $0x0;
	s7 =	sadd.s32 $0xA400, s8;
	s8 =	smax.u32 s9, $0x1;
	s9 =	simm.s32 $0x1  }
.LBB2_1:
0xc: {  	[tilespmem:s2], [sflag:$0x1] =	stream.linear.gather [hbm4b:s3+s2], $0x2000, $0x38;
	[tilespmem:$0x2800] =	vst v63  }
0xd: {  	_ =	swait.ge [sflag:s9], $0x2000  }
0xe: {  	[sflag:s9] =	ssyncset.done $0x0  }
0xf: {  	s15 =	simm.s32 $0x400;
	[sflag:s9] =	ssyncadd.s32 $0xFFFFE000  }
0x10: {  	v1 =	vld [tilespmem:s15+$0xFFFFFC00];
	_ =	sdelay $0x1  }
0x11: {  	v2 =	vld [tilespmem:s15+$0xFFFFFE00];
	_ =	sdelay $0x2  }
0x12: {  	v3 =	vld [tilespmem:s15+$0x0];
	vm0 =	vgt.f32 v1, $-1.000000000e+00  }
0x13: {  	v1 =	vnsel vm0, $0xBF800000, v1  }
0x14: {  	vm0 =	vgt.f32 v2, $-1.000000000e+00;
	vm2 =	vgt.f32 v2, v1  }
0x15: {  	v5 =	vld [tilespmem:s15+$0x200];
	v4 =	vnsel vm0, $0xBF800000, v2;
	vm6 =	vmneg vm2  }
0x16: {  	v4 =	vsel vm6, v4, v1  }
0x17: {  	s16 =	sand.u32 $0x1F0, s2;
	v1 =	vsel vm6, v1, v2;
	vm10 =	vgt.f32 v3, v4  }
0x18: {  	v49 =	vld [tilespmem:s16+$0x800];
	vm5 =	vgt.f32 v3, v1;
	v2 =	vsel vm10, v3, v4  }
0x19: {  	v2 =	vsel vm5, v1, v2  }
0x1a: {  	v1 =	vsel vm5, v3, v1;
	vm11 =	vgt.f32 v5, v2  }
0x1b: {  	v3 =	vld [tilespmem:s16+$0xA00];
	vm7 =	vgt.f32 v5, v1;
	v2 =	vsel vm11, v5, v2  }
0x1c: {  	v2 =	vsel vm7, v1, v2  }
0x1d: {  	v1 =	vsel vm7, v5, v1;
	vm13 =	vgt.f32 v49, v2  }
0x1e: {  	v50 =	vld [tilespmem:s16+$0xC00];
	vm9 =	vgt.f32 v49, v1;
	v2 =	vsel vm13, v49, v2  }
0x1f: {  	v2 =	vsel vm9, v1, v2  }
0x20: {  	v1 =	vsel vm9, v49, v1;
	vm12 =	vgt.f32 v3, v2  }
0x21: {  	v51 =	vld [tilespmem:s16+$0xE00];
	vm4 =	vgt.f32 v3, v1;
	v2 =	vsel vm12, v3, v2  }
0x22: {  	v2 =	vsel vm4, v1, v2  }
0x23: {  	v1 =	vsel vm4, v3, v1;
	vm8 =	vgt.f32 v50, v2  }
0x24: {  	v3 =	vld [tilespmem:s16+$0x1000];
	vm1 =	vgt.f32 v50, v1;
	v2 =	vsel vm8, v50, v2  }
0x25: {  	v2 =	vsel vm1, v1, v2  }
0x26: {  	v1 =	vsel vm1, v50, v1;
	vm3 =	vgt.f32 v51, v2  }
0x27: {  	v52 =	vld [tilespmem:s16+$0x1200];
	vm6 =	vmand vm0, vm6;
	vm0 =	vgt.f32 v51, v1;
	v2 =	vsel vm3, v51, v2  }
0x28: {  	v7 =	vsel vm2, $0x1, v0;
	v2 =	vsel vm0, v1, v2  }
0x29: {  	v6 =	vsel vm6, $0x1, v0;
	v1 =	vsel vm0, v51, v1;
	vm6 =	vgt.f32 v3, v2  }
0x2a: {  	v54 =	vld [tilespmem:s16+$0x1400];
	v53 =	vsel vm10, $0x2, v6;
	vm2 =	vgt.f32 v3, v1;
	v2 =	vsel vm6, v3, v2  }
0x2b: {  	v4 =	vsel vm5, v7, v53;
	v2 =	vsel vm2, v1, v2  }
0x2c: {  	v7 =	vsel vm5, $0x2, v7;
	v1 =	vsel vm2, v3, v1;
	vm10 =	vgt.f32 v52, v2  }
0x2d: {  	v55 =	vld [tilespmem:s16+$0x1600];
	v3 =	vsel vm11, $0x3, v4;
	vm5 =	vgt.f32 v52, v1;
	v2 =	vsel vm10, v52, v2  }
0x2e: {  	v3 =	vsel vm7, v7, v3;
	v2 =	vsel vm5, v1, v2  }
0x2f: {  	v7 =	vsel vm7, $0x3, v7;
	v1 =	vsel vm5, v52, v1;
	vm11 =	vgt.f32 v54, v2  }
0x30: {  	v56 =	vld [tilespmem:s16+$0x1800];
	v3 =	vsel vm13, $0x4, v3;
	vm7 =	vgt.f32 v54, v1;
	v2 =	vsel vm11, v54, v2  }
0x31: {  	v3 =	vsel vm9, v7, v3;
	v2 =	vsel vm7, v1, v2  }
0x32: {  	v7 =	vsel vm9, $0x4, v7;
	v1 =	vsel vm7, v54, v1;
	vm13 =	vgt.f32 v55, v2  }
0x33: {  	v57 =	vld [tilespmem:s16+$0x1A00];
	v3 =	vsel vm12, $0x5, v3;
	vm9 =	vgt.f32 v55, v1;
	v2 =	vsel vm13, v55, v2  }
0x34: {  	v3 =	vsel vm4, v7, v3;
	v2 =	vsel vm9, v1, v2  }
0x35: {  	v7 =	vsel vm4, $0x5, v7;
	v1 =	vsel vm9, v55, v1;
	vm12 =	vgt.f32 v56, v2  }
0x36: {  	v58 =	vld [tilespmem:s16+$0x1C00];
	v3 =	vsel vm8, $0x6, v3;
	vm4 =	vgt.f32 v56, v1;
	v2 =	vsel vm12, v56, v2  }
0x37: {  	v3 =	vsel vm1, v7, v3;
	v2 =	vsel vm4, v1, v2  }
0x38: {  	v7 =	vsel vm1, $0x6, v7;
	v1 =	vsel vm4, v56, v1;
	vm1 =	vgt.f32 v57, v2  }
0x39: {  	v59 =	vld [tilespmem:s16+$0x1E00];
	v3 =	vsel vm3, $0x7, v3;
	vm3 =	vgt.f32 v57, v1;
	v2 =	vsel vm1, v57, v2  }
0x3a: {  	v3 =	vsel vm0, v7, v3;
	v7 =	vsel vm0, $0x7, v7;
	v2 =	vsel vm3, v1, v2  }
0x3b: {  	v3 =	vsel vm6, $0x8, v3;
	v1 =	vsel vm3, v57, v1;
	vm0 =	vgt.f32 v58, v2  }
0x3c: {  	v60 =	vsel vm2, $0x8, v7;
	vm6 =	vgt.f32 v58, v1;
	v2 =	vsel vm0, v58, v2  }
0x3d: {  	v3 =	vsel vm2, v7, v3;
	v61 =	vsel vm5, $0x9, v60;
	v2 =	vsel vm6, v1, v2  }
0x3e: {  	v3 =	vsel vm10, $0x9, v3;
	v1 =	vsel vm6, v58, v1;
	vm14 =	vgt.f32 v59, v2  }
0x3f: {  	v3 =	vsel vm5, v60, v3;
	vm15 =	vgt.f32 v59, v1;
	v2 =	vsel vm14, v59, v2  }
0x40: {  	v3 =	vsel vm11, $0xA, v3;
	v62 =	vsel vm15, v1, v2;
	v1 =	vsel vm15, v59, v1  }
0x41: {  	v2 =	vsel vm7, v61, v3;
	v3 =	vadd.f32 v62, v1  }
0x42: {  	v4 =	vsel vm7, $0xA, v61;
	v2 =	vsel vm13, $0xB, v2  }
0x43: {  	v2 =	vsel vm9, v4, v2;
	(erf) = vrcp.f32 v3  }
0x44: {  	v2 =	vsel vm12, $0xC, v2;
	v3 =	vsel vm9, $0xB, v4  }
0x45: {  	v2 =	vsel vm4, v3, v2  }
0x46: {  	v3 =	vsel vm4, $0xC, v3;
	v2 =	vsel vm1, $0xD, v2  }
0x47: {  	v2 =	vsel vm3, v3, v2  }
0x48: {  	v3 =	vsel vm3, $0xD, v3;
	v2 =	vsel vm0, $0xE, v2  }
0x49: {  	v2 =	vsel vm6, v3, v2  }
0x4a: {  	v3 =	vsel vm6, $0xE, v3;
	v2 =	vsel vm14, $0xF, v2  }
0x4b: {  	v2 =	vsel vm15, v3, v2  }
0x4c: {  	v3 =	vsel vm15, $0xF, v3;
	[tilespmem:s12+$0x200] =	vst v2;
	v63 =	vpop (erf)  }
0x4d: {  	s17 =	simm.s32 $0x2400;
	s18 =	simm.s32 $0x2400;
	s16 =	simm.s32 $0x10;
	[tilespmem:s12+$0x0] =	vst v3;
	v2 =	vmul.f32 v63, v1;
	v1 =	vmul.f32 v63, v62  }
.LBB2_2:
0x4e: {  	_ = 	snop  }
0x4f: {  	p0 =	sne.s32 s16, $0x1F0;
	s18 =	sadd.s32 $0x10, s18;
	s15 =	sadd.s32 $0x10, s15;
	[tilespmem:s17+$0xFFFFFC00] =	vst v2  }
0x50: {  	s19 =	smov.u32 s16;
	s16 =	sadd.s32 $0x10, s16;
	[tilespmem:s17+$0xFFFFFE00] =	vst v1;
	s17 =	smov.u32 s18  }
0x51: {  	v1 =	vld [tilespmem:s15+$0xFFFFFC00];
	_ =	sdelay $0x1  }
0x52: {  	v2 =	vld [tilespmem:s15+$0xFFFFFE00];
	_ =	sdelay $0x2  }
0x53: {  	vm0 =	vgt.f32 v1, $-1.000000000e+00;
	v3 =	vld [tilespmem:s15+$0x0]  }
0x54: {  	v1 =	vnsel vm0, $0xBF800000, v1  }
0x55: {  	vm0 =	vgt.f32 v2, v1;
	vm1 =	vgt.f32 v2, $-1.000000000e+00  }
0x56: {  	vm2 =	vmneg vm0;
	v4 =	vnsel vm1, $0xBF800000, v2;
	v5 =	vld [tilespmem:s15+$0x200]  }
0x57: {  	vm1 =	vmand vm1, vm2;
	v4 =	vsel vm2, v4, v1;
	v1 =	vsel vm2, v1, v2  }
0x58: {  	s19 =	sand.u32 $0x1F0, s19;
	v2 =	vsel vm1, $0x1, v0;
	vm1 =	vgt.f32 v3, v4  }
0x59: {  	v6 =	vsel vm0, $0x1, v0;
	vm0 =	vgt.f32 v3, v1;
	v4 =	vsel vm1, v3, v4;
	v7 =	vld [tilespmem:s19+$0x800]  }
0x5a: {  	v8 =	vsel vm0, $0x2, v6;
	v4 =	vsel vm0, v1, v4;
	v1 =	vsel vm0, v3, v1  }
0x5b: {  	v2 =	vsel vm1, $0x2, v2;
	vm1 =	vgt.f32 v5, v4  }
0x5c: {  	v2 =	vsel vm0, v6, v2;
	vm0 =	vgt.f32 v5, v1;
	v3 =	vsel vm1, v5, v4;
	v4 =	vld [tilespmem:s19+$0xA00]  }
0x5d: {  	v2 =	vsel vm1, $0x3, v2;
	v3 =	vsel vm0, v1, v3;
	v1 =	vsel vm0, v5, v1  }
0x5e: {  	v2 =	vsel vm0, v8, v2;
	v5 =	vsel vm0, $0x3, v8;
	vm0 =	vgt.f32 v7, v3  }
0x5f: {  	vm1 =	vgt.f32 v7, v1;
	v2 =	vsel vm0, $0x4, v2;
	v3 =	vsel vm0, v7, v3;
	v6 =	vld [tilespmem:s19+$0xC00]  }
0x60: {  	v2 =	vsel vm1, v5, v2;
	v3 =	vsel vm1, v1, v3;
	v1 =	vsel vm1, v7, v1  }
0x61: {  	v5 =	vsel vm1, $0x4, v5;
	vm0 =	vgt.f32 v4, v3  }
0x62: {  	vm1 =	vgt.f32 v4, v1;
	v2 =	vsel vm0, $0x5, v2;
	v3 =	vsel vm0, v4, v3;
	v7 =	vld [tilespmem:s19+$0xE00]  }
0x63: {  	v2 =	vsel vm1, v5, v2;
	v3 =	vsel vm1, v1, v3;
	v1 =	vsel vm1, v4, v1  }
0x64: {  	v4 =	vsel vm1, $0x5, v5;
	vm0 =	vgt.f32 v6, v3  }
0x65: {  	vm1 =	vgt.f32 v6, v1;
	v2 =	vsel vm0, $0x6, v2;
	v3 =	vsel vm0, v6, v3;
	v5 =	vld [tilespmem:s19+$0x1000]  }
0x66: {  	v2 =	vsel vm1, v4, v2;
	v3 =	vsel vm1, v1, v3  }
0x67: {  	v4 =	vsel vm1, $0x6, v4;
	v1 =	vsel vm1, v6, v1;
	vm0 =	vgt.f32 v7, v3  }
0x68: {  	vm1 =	vgt.f32 v7, v1;
	v2 =	vsel vm0, $0x7, v2;
	v3 =	vsel vm0, v7, v3;
	v6 =	vld [tilespmem:s19+$0x1200]  }
0x69: {  	v2 =	vsel vm1, v4, v2;
	v3 =	vsel vm1, v1, v3  }
0x6a: {  	v1 =	vsel vm1, v7, v1;
	vm0 =	vgt.f32 v5, v3  }
0x6b: {  	v4 =	vsel vm1, $0x7, v4;
	vm1 =	vgt.f32 v5, v1;
	v3 =	vsel vm0, v5, v3;
	v7 =	vld [tilespmem:s19+$0x1400]  }
0x6c: {  	v2 =	vsel vm0, $0x8, v2;
	v3 =	vsel vm1, v1, v3;
	v1 =	vsel vm1, v5, v1  }
0x6d: {  	v2 =	vsel vm1, v4, v2;
	v4 =	vsel vm1, $0x8, v4;
	vm0 =	vgt.f32 v6, v3  }
0x6e: {  	vm1 =	vgt.f32 v6, v1;
	v2 =	vsel vm0, $0x9, v2;
	v3 =	vsel vm0, v6, v3;
	v5 =	vld [tilespmem:s19+$0x1600]  }
0x6f: {  	v2 =	vsel vm1, v4, v2;
	v3 =	vsel vm1, v1, v3;
	v1 =	vsel vm1, v6, v1  }
0x70: {  	v4 =	vsel vm1, $0x9, v4;
	vm0 =	vgt.f32 v7, v3  }
0x71: {  	vm1 =	vgt.f32 v7, v1;
	v2 =	vsel vm0, $0xA, v2;
	v3 =	vsel vm0, v7, v3;
	v6 =	vld [tilespmem:s19+$0x1800]  }
0x72: {  	v2 =	vsel vm1, v4, v2;
	v3 =	vsel vm1, v1, v3;
	v4 =	vsel vm1, $0xA, v4  }
0x73: {  	v1 =	vsel vm1, v7, v1;
	vm0 =	vgt.f32 v5, v3  }
0x74: {  	vm1 =	vgt.f32 v5, v1;
	v2 =	vsel vm0, $0xB, v2;
	v3 =	vsel vm0, v5, v3;
	v7 =	vld [tilespmem:s19+$0x1A00]  }
0x75: {  	v2 =	vsel vm1, v4, v2;
	v3 =	vsel vm1, v1, v3  }
0x76: {  	v1 =	vsel vm1, v5, v1;
	vm0 =	vgt.f32 v6, v3  }
0x77: {  	vm2 =	vgt.f32 v6, v1;
	v2 =	vsel vm0, $0xC, v2;
	v3 =	vsel vm0, v6, v3;
	v5 =	vld [tilespmem:s19+$0x1C00]  }
0x78: {  	v4 =	vsel vm1, $0xB, v4;
	v3 =	vsel vm2, v1, v3;
	v1 =	vsel vm2, v6, v1  }
0x79: {  	v2 =	vsel vm2, v4, v2;
	v4 =	vsel vm2, $0xC, v4;
	vm0 =	vgt.f32 v7, v3  }
0x7a: {  	vm1 =	vgt.f32 v7, v1;
	v2 =	vsel vm0, $0xD, v2;
	v3 =	vsel vm0, v7, v3;
	v6 =	vld [tilespmem:s19+$0x1E00]  }
0x7b: {  	v2 =	vsel vm1, v4, v2;
	v3 =	vsel vm1, v1, v3;
	v1 =	vsel vm1, v7, v1  }
0x7c: {  	v4 =	vsel vm1, $0xD, v4;
	vm0 =	vgt.f32 v5, v3  }
0x7d: {  	vm1 =	vgt.f32 v5, v1;
	v2 =	vsel vm0, $0xE, v2;
	v3 =	vsel vm0, v5, v3  }
0x7e: {  	v2 =	vsel vm1, v4, v2;
	v3 =	vsel vm1, v1, v3  }
0x7f: {  	v4 =	vsel vm1, $0xE, v4;
	v1 =	vsel vm1, v5, v1;
	vm0 =	vgt.f32 v6, v3  }
0x80: {  	vm1 =	vgt.f32 v6, v1;
	v2 =	vsel vm0, $0xF, v2;
	v3 =	vsel vm0, v6, v3  }
0x81: {  	v2 =	vsel vm1, v4, v2;
	v3 =	vsel vm1, v1, v3;
	v1 =	vsel vm1, v6, v1  }
0x82: {  	v4 =	vsel vm1, $0xF, v4;
	v5 =	vadd.f32 v3, v1;
	[tilespmem:s18+$0x200] =	vst v2  }
0x83: {  	[tilespmem:s18+$0x0] =	vst v4  }
0x84: {  	(erf) = vrcp.f32 v5;
	_ =	sdelay $0x5  }
.Ltmp0:
0x85: {  	(pc) =	sbr.rel @p0 .LBB2_2-.Ltmp0, $3  }
0x86: {  	_ =	sdelay $0x1  }
0x87: {  	v4 =	vpop (erf)  }
0x88: {  	v2 =	vmul.f32 v4, v1;
	v1 =	vmul.f32 v4, v3  }
0x89: {  	_ = 	snop  }
0x8a: {  	[tilespmem:s17+$0xFFFFFC00] =	vst v2  }
0x8b: {  	[tilespmem:s17+$0xFFFFFE00] =	vst v1  }
0x8c: {  	[hbm4b:s4+s2] =	stream.linear.scatter [tilespmem:s10], [sflag:$0x1], $0x200, $0x38;
	[tilespmem:$0x2800] =	vst v63  }
0x8d: {  	_ =	swait.ge [sflag:s9], $0x200  }
0x8e: {  	[sflag:s9] =	ssyncset.done $0x0  }
0x8f: {  	[sflag:s9] =	ssyncadd.s32 $0xFFFFFE00  }
0x90: {  	[hbm4b:s5+s2] =	stream.linear.scatter [tilespmem:s11], [sflag:$0x1], $0x200, $0x38;
	[tilespmem:$0x2800] =	vst v63  }
0x91: {  	_ =	swait.ge [sflag:s9], $0x200  }
0x92: {  	[sflag:s9] =	ssyncset.done $0x0  }
0x93: {  	[sflag:s9] =	ssyncadd.s32 $0xFFFFFE00  }
0x94: {  	[hbm4b:s6+s2] =	stream.linear.scatter [tilespmem:s12], [sflag:$0x1], $0x200, $0x38;
	[tilespmem:$0x2800] =	vst v63  }
0x95: {  	s14 =	sadd.s32 $0x1, s14;
	_ =	swait.ge [sflag:s9], $0x200  }
0x96: {  	p0 =	sne.s32 s14, s8;
	[sflag:s9] =	ssyncset.done $0x0  }
.Ltmp1:
0x97: {  	[sflag:s9] =	ssyncadd.s32 $0xFFFFFE00;
	(pc) =	sbr.rel @p0 .LBB2_1-.Ltmp1, $4  }
0x98: {  	[hbm4b:s7+s2] =	stream.linear.scatter [tilespmem:s13], [sflag:$0x1], $0x200, $0x38;
	[tilespmem:$0x2800] =	vst v63  }
0x99: {  	_ =	swait.ge [sflag:s9], $0x200  }
0x9a: {  	[sflag:s9] =	ssyncset.done $0x0  }
0x9b: {  	[sflag:s9] =	ssyncadd.s32 $0xFFFFFE00  }
0x9c: {  	_ =	sfence.sel $0x180000  }
0x9d: {  	[bflag:$0x0] =	sbarrier.arrive $0xFFFF  }
0x9e: {  	p0 =	sne.s32 s1, $0x0;
	_ =	strace $0x90000047  }
0x9f: {  	s0 =	sadd.s32 @!p0 $0x100000, s0;
	[bflag:$0x2] =	sbarrier.arrive $0xFFFF  }
0xa0: {  	[sflag:s0] =	ssyncadd.tile.s32 @!p0 $0x1;
	_ =	shalt  }
.Lfunc_end2:
_tile_overlayer_lowered:
.L_overlay_start_2:
0xa1: {  	(tag) =	ssettag $0x2  }
0xa2: {  	s0 =	rddreg [dreg:$0x0];
	s2 =	stileid.u32  }
0xa3: {  	s1 =	rddreg [dreg:$0x1];
	p0 =	sne.s32 s2, $0x0  }
0xa4: {  	s3 =	rddreg [dreg:$0x2];
	[bflag:$0x3] =	sbarrier.arrive $0xFFFF;
	s2 =	simm.s32 @!p0 $0x1C01  }
0xa5: {  	[timem:s3], [sflag:s2] =	dma.local @!p0 [hbm:s0], s1  }
0xa6: {  	s0 =	simm.s32 @!p0 $0x1  }
0xa7: {  	_ =	swait.ge @!p0 [sflag:s0], s1  }
0xa8: {  	s1 =	ssub.s32 @!p0 $0x0, s1;
	[sflag:s0] =	ssyncset.done @!p0 $0x0  }
0xa9: {  	[sflag:s0] =	ssyncadd.s32 @!p0 s1  }
0xaa: {  	[bflag:$0x3] =	sbarrier.arrive $0xFFFF  }
0xab: {  	_ =	shalt  }

</sc_bundles>
